<compile_context>
chip_gen: v7x
topology: tpu7x:2x2x1
jax: 0.10.2.dev20260603
libtpu: 0.0.44.dev20260713+nightly
codegen_flags: <defaults>
</compile_context>

<pallas_src>
import functools

import jax
import jax.numpy as jnp
from jax import lax
from jax.experimental import pallas as pl
from jax.experimental.pallas import tpu as pltpu
from jax.experimental.pallas import tpu_sc as plsc

N_TASKS = 1024
N_SPLITS = 8
N_SKILLS = 64
D = N_SPLITS * N_SKILLS
B = 16384
EPS = 1e-12

_NC = 2
_NS = 16
_NW = _NC * _NS

_B_PER_W = B // _NW
_CH = 64
_NCH = _B_PER_W // _CH
_NBUF = 2



def _norm_body(table_ref, out_ref):
    x = table_ref[...]
    s = 1.0 / (1.0 + jnp.exp(-x))
    for g in range(N_SPLITS):
        sl = slice(g * N_SKILLS, (g + 1) * N_SKILLS)
        grp = s[:, sl]
        tot = jnp.sum(grp, axis=1, keepdims=True) + EPS
        out_ref[:, sl] = grp * (1.0 / tot)


_normalize = pl.pallas_call(
    _norm_body,
    out_shape=jax.ShapeDtypeStruct((N_TASKS, D), jnp.float32),
)



def _gather_body(norm_hbm, ids_hbm, out_hbm, idx_v,
                 rb0, rb1, g0, g1, s0, s1):
    rbufs = [rb0, rb1]
    gsems = [g0, g1]
    ssems = [s0, s1]

    wid = lax.axis_index("s") * _NC + lax.axis_index("c")
    base = wid * _B_PER_W
    pltpu.sync_copy(ids_hbm.at[wid], idx_v)

    def fire_gather(ch):
        b = ch % _NBUF
        return pltpu.async_copy(norm_hbm.at[idx_v.at[ch]], rbufs[b], gsems[b])

    gops = [None] * _NCH
    sops = [None] * _NCH
    for ch in range(_NBUF):
        gops[ch] = fire_gather(ch)
    for ch in range(_NCH):
        b = ch % _NBUF
        gops[ch].wait()
        if ch >= 1:
            sops[ch - 1].wait()
            nxt = ch - 1 + _NBUF
            if nxt < _NCH:
                gops[nxt] = fire_gather(nxt)
        sops[ch] = pltpu.async_copy(
            rbufs[b], out_hbm.at[pl.ds(base + ch * _CH, _CH)], ssems[b])
    sops[_NCH - 1].wait()


_mesh = plsc.VectorSubcoreMesh(core_axis_name="c", subcore_axis_name="s")

_gather = functools.partial(
    pl.kernel,
    mesh=_mesh,
    out_type=jax.ShapeDtypeStruct((B, D), jnp.float32),
    scratch_types=[
        pltpu.VMEM((_NCH, _CH), jnp.int32),
        pltpu.VMEM((_CH, D), jnp.float32),
        pltpu.VMEM((_CH, D), jnp.float32),
        pltpu.SemaphoreType.DMA,
        pltpu.SemaphoreType.DMA,
        pltpu.SemaphoreType.DMA,
        pltpu.SemaphoreType.DMA,
    ],
)(_gather_body)


@jax.jit
def kernel(module_logits, task_ids):
    norm = _normalize(module_logits)
    ids = task_ids.astype(jnp.int32).reshape(_NW, _NCH, _CH)
    return _gather(norm, ids).reshape(B, N_SPLITS, N_SKILLS)

# --- scband reference (transcript-rebuilt; emitter-appended) ---
"""Pipeline reference for scband-polytropon-selector-1700807049852 (READ-ONLY COPY).

The authoritative reference and input builder live on the scoring server;
editing this copy changes nothing except your own understanding.
"""

import jax, jax.numpy as jnp
import numpy as np

N_TASKS = 1024
N_SPLITS = 8
N_SKILLS = 64
EPS = 1e-12

def setup_inputs(seed: int = 0) -> dict:
    key = jax.random.key(seed)
    k1, k2 = jax.random.split(key)
    module_logits = jax.random.uniform(k1, (N_TASKS, N_SPLITS * N_SKILLS), dtype=jnp.float32, minval=-0.001, maxval=0.001)
    task_ids = jax.random.randint(k2, (16384,), 0, N_TASKS, dtype=jnp.int64 if jax.config.jax_enable_x64 else jnp.int32)
    return {"module_logits": module_logits, "task_ids": task_ids}

def reference(module_logits, task_ids):
    # gather per-task routing logits (embedding-style lookup)
    ml = jnp.take(module_logits, task_ids, axis=0)
    ml = ml.reshape(-1, N_SPLITS, N_SKILLS)
    # config: no l2_norm, no relaxed bernoulli, no straight-through, dropout=0,
    # no shared skill, no average correction -> sigmoid + sum-normalize
    ml = jax.nn.sigmoid(ml)
    module_weights = ml / (jnp.sum(ml, axis=-1, keepdims=True) + EPS)
    return module_weights

if __name__ == "__main__":
    import jax
    _d = setup_inputs()
    print(jax.jit(kernel)(*tuple(_d.values())))

</pallas_src>

<mosaic_0001>
#map = affine_map<(d0, d1) -> (0, 0)>
#map1 = affine_map<(d0, d1) -> (0, 0, 0)>
module attributes {stable_mosaic.version = 14 : i64} {
  func.func @_gather_body(%arg0: i32, %arg1: i32, %arg2: memref<1024x512xf32, #tpu.memory_space<hbm>>, %arg3: memref<32x8x64xi32, #tpu.memory_space<hbm>>, %arg4: memref<16384x512xf32, #tpu.memory_space<hbm>>, %arg5: memref<8x64xi32, #tpu.memory_space<vmem>>, %arg6: memref<64x512xf32, #tpu.memory_space<vmem>>, %arg7: memref<64x512xf32, #tpu.memory_space<vmem>>, %arg8: memref<!tpu.dma_semaphore, #tpu.memory_space<semaphore_mem>>, %arg9: memref<!tpu.dma_semaphore, #tpu.memory_space<semaphore_mem>>, %arg10: memref<!tpu.dma_semaphore, #tpu.memory_space<semaphore_mem>>, %arg11: memref<!tpu.dma_semaphore, #tpu.memory_space<semaphore_mem>>) attributes {dimension_semantics = [#tpu.dimension_semantics<core_parallel>, #tpu.dimension_semantics<subcore_parallel>], iteration_bounds = array<i64: 2, 16>, scalar_prefetch = 0 : i64, scratch_operands = 7 : i64, tpu.core_type = #tpu.core_type<sc_vector_subcore>, window_params = [{transform_indices = #map}, {transform_indices = #map1}, {transform_indices = #map}]} {
    %mul3A = arith.constant 2 : i32
    %mul3A_0 = arith.muli %arg1, %mul3A : i32
    %add3A = arith.addi %mul3A_0, %arg0 : i32
    %mul3A_1 = arith.constant 512 : i32
    %mul3A_2 = arith.muli %add3A, %mul3A_1 : i32
    "tpu.region"() ({
      %run_scoped3A = tpu.sem_alloc : memref<!tpu.dma_semaphore, #tpu.memory_space<semaphore_mem>>
      %dma_start3A_193 = arith.constant 0 : i32
      %dma_start3A_194 = arith.constant 0 : i32
      %dma_start3A_195 = tpu.memref_slice %arg3[%add3A, %dma_start3A_193, %dma_start3A_194] : memref<32x8x64xi32, #tpu.memory_space<hbm>> -> memref<1x8x64xi32, #tpu.memory_space<hbm>>
      %dma_start3A_196 = tpu.memref_squeeze %dma_start3A_195 : memref<1x8x64xi32, #tpu.memory_space<hbm>> -> memref<8x64xi32, #tpu.memory_space<hbm>>
      %dma_start3A_197 = arith.constant 0 : i32
      %dma_start3A_198 = arith.constant 0 : i32
      %dma_start3A_199 = tpu.memref_slice %arg3[%add3A, %dma_start3A_197, %dma_start3A_198] : memref<32x8x64xi32, #tpu.memory_space<hbm>> -> memref<1x8x64xi32, #tpu.memory_space<hbm>>
      %dma_start3A_200 = tpu.memref_squeeze %dma_start3A_199 : memref<1x8x64xi32, #tpu.memory_space<hbm>> -> memref<8x64xi32, #tpu.memory_space<hbm>>
      tpu.enqueue_dma source(%dma_start3A_200 : memref<8x64xi32, #tpu.memory_space<hbm>>) target(%arg5 : memref<8x64xi32, #tpu.memory_space<vmem>>) target_semaphore(%run_scoped3A : memref<!tpu.dma_semaphore, #tpu.memory_space<semaphore_mem>>)
      %dma_wait3A_201 = arith.constant 0 : i32
      %dma_wait3A_202 = arith.constant 0 : i32
      %dma_wait3A_203 = tpu.memref_slice %arg3[%add3A, %dma_wait3A_201, %dma_wait3A_202] : memref<32x8x64xi32, #tpu.memory_space<hbm>> -> memref<1x8x64xi32, #tpu.memory_space<hbm>>
      %dma_wait3A_204 = tpu.memref_squeeze %dma_wait3A_203 : memref<1x8x64xi32, #tpu.memory_space<hbm>> -> memref<8x64xi32, #tpu.memory_space<hbm>>
      %dma_wait3A_205 = arith.constant 0 : i32
      %dma_wait3A_206 = arith.constant 0 : i32
      %dma_wait3A_207 = tpu.memref_slice %arg3[%add3A, %dma_wait3A_205, %dma_wait3A_206] : memref<32x8x64xi32, #tpu.memory_space<hbm>> -> memref<1x8x64xi32, #tpu.memory_space<hbm>>
      %dma_wait3A_208 = tpu.memref_squeeze %dma_wait3A_207 : memref<1x8x64xi32, #tpu.memory_space<hbm>> -> memref<8x64xi32, #tpu.memory_space<hbm>>
      tpu.wait_dma2 semaphore(%run_scoped3A : memref<!tpu.dma_semaphore, #tpu.memory_space<semaphore_mem>>) src(%dma_wait3A_208 : memref<8x64xi32, #tpu.memory_space<hbm>>) dst(%arg5 : memref<8x64xi32, #tpu.memory_space<vmem>>)
      tpu.yield
    }) : () -> ()
    %dma_start3A = arith.constant 0 : i32
    %dma_start3A_3 = arith.constant 0 : i32
    %dma_start3A_4 = tpu.memref_slice %arg5[%dma_start3A, %dma_start3A_3] : memref<8x64xi32, #tpu.memory_space<vmem>> -> memref<1x64xi32, #tpu.memory_space<vmem>>
    %dma_start3A_5 = tpu.memref_squeeze %dma_start3A_4 : memref<1x64xi32, #tpu.memory_space<vmem>> -> memref<64xi32, #tpu.memory_space<vmem>>
    %dma_start3A_6 = arith.constant 0 : i32
    %dma_start3A_7 = arith.constant 0 : i32
    %dma_start3A_8 = tpu.memref_slice %arg2[%dma_start3A_6, %dma_start3A_7] : memref<1024x512xf32, #tpu.memory_space<hbm>> -> memref<1024x512xf32, #tpu.memory_space<hbm>>
    tpu.enqueue_indirect_dma source(%dma_start3A_8 : memref<1024x512xf32, #tpu.memory_space<hbm>>) target(%arg6 : memref<64x512xf32, #tpu.memory_space<vmem>>) offsets(%dma_start3A_5 : memref<64xi32, #tpu.memory_space<vmem>>) semaphore(%arg8 : memref<!tpu.dma_semaphore, #tpu.memory_space<semaphore_mem>>)
    %dma_start3A_9 = arith.constant 1 : i32
    %dma_start3A_10 = arith.constant 0 : i32
    %dma_start3A_11 = tpu.memref_slice %arg5[%dma_start3A_9, %dma_start3A_10] : memref<8x64xi32, #tpu.memory_space<vmem>> -> memref<1x64xi32, #tpu.memory_space<vmem>>
    %dma_start3A_12 = tpu.memref_squeeze %dma_start3A_11 : memref<1x64xi32, #tpu.memory_space<vmem>> -> memref<64xi32, #tpu.memory_space<vmem>>
    %dma_start3A_13 = arith.constant 0 : i32
    %dma_start3A_14 = arith.constant 0 : i32
    %dma_start3A_15 = tpu.memref_slice %arg2[%dma_start3A_13, %dma_start3A_14] : memref<1024x512xf32, #tpu.memory_space<hbm>> -> memref<1024x512xf32, #tpu.memory_space<hbm>>
    tpu.enqueue_indirect_dma source(%dma_start3A_15 : memref<1024x512xf32, #tpu.memory_space<hbm>>) target(%arg7 : memref<64x512xf32, #tpu.memory_space<vmem>>) offsets(%dma_start3A_12 : memref<64xi32, #tpu.memory_space<vmem>>) semaphore(%arg9 : memref<!tpu.dma_semaphore, #tpu.memory_space<semaphore_mem>>)
    %dma_wait3A = arith.constant 0 : i32
    %dma_wait3A_16 = arith.constant 0 : i32
    %dma_wait3A_17 = tpu.memref_slice %arg5[%dma_wait3A, %dma_wait3A_16] : memref<8x64xi32, #tpu.memory_space<vmem>> -> memref<1x64xi32, #tpu.memory_space<vmem>>
    %dma_wait3A_18 = tpu.memref_squeeze %dma_wait3A_17 : memref<1x64xi32, #tpu.memory_space<vmem>> -> memref<64xi32, #tpu.memory_space<vmem>>
    %dma_wait3A_19 = arith.constant 0 : i32
    %dma_wait3A_20 = arith.constant 0 : i32
    %dma_wait3A_21 = tpu.memref_slice %arg2[%dma_wait3A_19, %dma_wait3A_20] : memref<1024x512xf32, #tpu.memory_space<hbm>> -> memref<1024x512xf32, #tpu.memory_space<hbm>>
    tpu.wait_indirect_dma semaphore(%arg8 : memref<!tpu.dma_semaphore, #tpu.memory_space<semaphore_mem>>) src(%dma_wait3A_21 : memref<1024x512xf32, #tpu.memory_space<hbm>>) dst(%arg6 : memref<64x512xf32, #tpu.memory_space<vmem>>)
    %add3A_22 = arith.constant 0 : i32
    %add3A_23 = arith.addi %mul3A_2, %add3A_22 : i32
    %dma_start3A_24 = arith.constant 0 : i32
    %dma_start3A_25 = tpu.memref_slice %arg4[%add3A_23, %dma_start3A_24] : memref<16384x512xf32, #tpu.memory_space<hbm>> -> memref<64x512xf32, #tpu.memory_space<hbm>>
    %dma_start3A_26 = arith.constant 0 : i32
    %dma_start3A_27 = tpu.memref_slice %arg4[%add3A_23, %dma_start3A_26] : memref<16384x512xf32, #tpu.memory_space<hbm>> -> memref<64x512xf32, #tpu.memory_space<hbm>>
    tpu.enqueue_dma source(%arg6 : memref<64x512xf32, #tpu.memory_space<vmem>>) target(%dma_start3A_27 : memref<64x512xf32, #tpu.memory_space<hbm>>) target_semaphore(%arg10 : memref<!tpu.dma_semaphore, #tpu.memory_space<semaphore_mem>>)
    %dma_wait3A_28 = arith.constant 1 : i32
    %dma_wait3A_29 = arith.constant 0 : i32
    %dma_wait3A_30 = tpu.memref_slice %arg5[%dma_wait3A_28, %dma_wait3A_29] : memref<8x64xi32, #tpu.memory_space<vmem>> -> memref<1x64xi32, #tpu.memory_space<vmem>>
    %dma_wait3A_31 = tpu.memref_squeeze %dma_wait3A_30 : memref<1x64xi32, #tpu.memory_space<vmem>> -> memref<64xi32, #tpu.memory_space<vmem>>
    %dma_wait3A_32 = arith.constant 0 : i32
    %dma_wait3A_33 = arith.constant 0 : i32
    %dma_wait3A_34 = tpu.memref_slice %arg2[%dma_wait3A_32, %dma_wait3A_33] : memref<1024x512xf32, #tpu.memory_space<hbm>> -> memref<1024x512xf32, #tpu.memory_space<hbm>>
    tpu.wait_indirect_dma semaphore(%arg9 : memref<!tpu.dma_semaphore, #tpu.memory_space<semaphore_mem>>) src(%dma_wait3A_34 : memref<1024x512xf32, #tpu.memory_space<hbm>>) dst(%arg7 : memref<64x512xf32, #tpu.memory_space<vmem>>)
    %dma_wait3A_35 = arith.constant 0 : i32
    %dma_wait3A_36 = tpu.memref_slice %arg4[%add3A_23, %dma_wait3A_35] : memref<16384x512xf32, #tpu.memory_space<hbm>> -> memref<64x512xf32, #tpu.memory_space<hbm>>
    %dma_wait3A_37 = arith.constant 0 : i32
    %dma_wait3A_38 = tpu.memref_slice %arg4[%add3A_23, %dma_wait3A_37] : memref<16384x512xf32, #tpu.memory_space<hbm>> -> memref<64x512xf32, #tpu.memory_space<hbm>>
    tpu.wait_dma2 semaphore(%arg10 : memref<!tpu.dma_semaphore, #tpu.memory_space<semaphore_mem>>) src(%arg6 : memref<64x512xf32, #tpu.memory_space<vmem>>) dst(%dma_wait3A_38 : memref<64x512xf32, #tpu.memory_space<hbm>>)
    %dma_start3A_39 = arith.constant 2 : i32
    %dma_start3A_40 = arith.constant 0 : i32
    %dma_start3A_41 = tpu.memref_slice %arg5[%dma_start3A_39, %dma_start3A_40] : memref<8x64xi32, #tpu.memory_space<vmem>> -> memref<1x64xi32, #tpu.memory_space<vmem>>
    %dma_start3A_42 = tpu.memref_squeeze %dma_start3A_41 : memref<1x64xi32, #tpu.memory_space<vmem>> -> memref<64xi32, #tpu.memory_space<vmem>>
    %dma_start3A_43 = arith.constant 0 : i32
    %dma_start3A_44 = arith.constant 0 : i32
    %dma_start3A_45 = tpu.memref_slice %arg2[%dma_start3A_43, %dma_start3A_44] : memref<1024x512xf32, #tpu.memory_space<hbm>> -> memref<1024x512xf32, #tpu.memory_space<hbm>>
    tpu.enqueue_indirect_dma source(%dma_start3A_45 : memref<1024x512xf32, #tpu.memory_space<hbm>>) target(%arg6 : memref<64x512xf32, #tpu.memory_space<vmem>>) offsets(%dma_start3A_42 : memref<64xi32, #tpu.memory_space<vmem>>) semaphore(%arg8 : memref<!tpu.dma_semaphore, #tpu.memory_space<semaphore_mem>>)
    %add3A_46 = arith.constant 64 : i32
    %add3A_47 = arith.addi %mul3A_2, %add3A_46 : i32
    %dma_start3A_48 = arith.constant 0 : i32
    %dma_start3A_49 = tpu.memref_slice %arg4[%add3A_47, %dma_start3A_48] : memref<16384x512xf32, #tpu.memory_space<hbm>> -> memref<64x512xf32, #tpu.memory_space<hbm>>
    %dma_start3A_50 = arith.constant 0 : i32
    %dma_start3A_51 = tpu.memref_slice %arg4[%add3A_47, %dma_start3A_50] : memref<16384x512xf32, #tpu.memory_space<hbm>> -> memref<64x512xf32, #tpu.memory_space<hbm>>
    tpu.enqueue_dma source(%arg7 : memref<64x512xf32, #tpu.memory_space<vmem>>) target(%dma_start3A_51 : memref<64x512xf32, #tpu.memory_space<hbm>>) target_semaphore(%arg11 : memref<!tpu.dma_semaphore, #tpu.memory_space<semaphore_mem>>)
    %dma_wait3A_52 = arith.constant 2 : i32
    %dma_wait3A_53 = arith.constant 0 : i32
    %dma_wait3A_54 = tpu.memref_slice %arg5[%dma_wait3A_52, %dma_wait3A_53] : memref<8x64xi32, #tpu.memory_space<vmem>> -> memref<1x64xi32, #tpu.memory_space<vmem>>
    %dma_wait3A_55 = tpu.memref_squeeze %dma_wait3A_54 : memref<1x64xi32, #tpu.memory_space<vmem>> -> memref<64xi32, #tpu.memory_space<vmem>>
    %dma_wait3A_56 = arith.constant 0 : i32
    %dma_wait3A_57 = arith.constant 0 : i32
    %dma_wait3A_58 = tpu.memref_slice %arg2[%dma_wait3A_56, %dma_wait3A_57] : memref<1024x512xf32, #tpu.memory_space<hbm>> -> memref<1024x512xf32, #tpu.memory_space<hbm>>
    tpu.wait_indirect_dma semaphore(%arg8 : memref<!tpu.dma_semaphore, #tpu.memory_space<semaphore_mem>>) src(%dma_wait3A_58 : memref<1024x512xf32, #tpu.memory_space<hbm>>) dst(%arg6 : memref<64x512xf32, #tpu.memory_space<vmem>>)
    %dma_wait3A_59 = arith.constant 0 : i32
    %dma_wait3A_60 = tpu.memref_slice %arg4[%add3A_47, %dma_wait3A_59] : memref<16384x512xf32, #tpu.memory_space<hbm>> -> memref<64x512xf32, #tpu.memory_space<hbm>>
    %dma_wait3A_61 = arith.constant 0 : i32
    %dma_wait3A_62 = tpu.memref_slice %arg4[%add3A_47, %dma_wait3A_61] : memref<16384x512xf32, #tpu.memory_space<hbm>> -> memref<64x512xf32, #tpu.memory_space<hbm>>
    tpu.wait_dma2 semaphore(%arg11 : memref<!tpu.dma_semaphore, #tpu.memory_space<semaphore_mem>>) src(%arg7 : memref<64x512xf32, #tpu.memory_space<vmem>>) dst(%dma_wait3A_62 : memref<64x512xf32, #tpu.memory_space<hbm>>)
    %dma_start3A_63 = arith.constant 3 : i32
    %dma_start3A_64 = arith.constant 0 : i32
    %dma_start3A_65 = tpu.memref_slice %arg5[%dma_start3A_63, %dma_start3A_64] : memref<8x64xi32, #tpu.memory_space<vmem>> -> memref<1x64xi32, #tpu.memory_space<vmem>>
    %dma_start3A_66 = tpu.memref_squeeze %dma_start3A_65 : memref<1x64xi32, #tpu.memory_space<vmem>> -> memref<64xi32, #tpu.memory_space<vmem>>
    %dma_start3A_67 = arith.constant 0 : i32
    %dma_start3A_68 = arith.constant 0 : i32
    %dma_start3A_69 = tpu.memref_slice %arg2[%dma_start3A_67, %dma_start3A_68] : memref<1024x512xf32, #tpu.memory_space<hbm>> -> memref<1024x512xf32, #tpu.memory_space<hbm>>
    tpu.enqueue_indirect_dma source(%dma_start3A_69 : memref<1024x512xf32, #tpu.memory_space<hbm>>) target(%arg7 : memref<64x512xf32, #tpu.memory_space<vmem>>) offsets(%dma_start3A_66 : memref<64xi32, #tpu.memory_space<vmem>>) semaphore(%arg9 : memref<!tpu.dma_semaphore, #tpu.memory_space<semaphore_mem>>)
    %add3A_70 = arith.constant 128 : i32
    %add3A_71 = arith.addi %mul3A_2, %add3A_70 : i32
    %dma_start3A_72 = arith.constant 0 : i32
    %dma_start3A_73 = tpu.memref_slice %arg4[%add3A_71, %dma_start3A_72] : memref<16384x512xf32, #tpu.memory_space<hbm>> -> memref<64x512xf32, #tpu.memory_space<hbm>>
    %dma_start3A_74 = arith.constant 0 : i32
    %dma_start3A_75 = tpu.memref_slice %arg4[%add3A_71, %dma_start3A_74] : memref<16384x512xf32, #tpu.memory_space<hbm>> -> memref<64x512xf32, #tpu.memory_space<hbm>>
    tpu.enqueue_dma source(%arg6 : memref<64x512xf32, #tpu.memory_space<vmem>>) target(%dma_start3A_75 : memref<64x512xf32, #tpu.memory_space<hbm>>) target_semaphore(%arg10 : memref<!tpu.dma_semaphore, #tpu.memory_space<semaphore_mem>>)
    %dma_wait3A_76 = arith.constant 3 : i32
    %dma_wait3A_77 = arith.constant 0 : i32
    %dma_wait3A_78 = tpu.memref_slice %arg5[%dma_wait3A_76, %dma_wait3A_77] : memref<8x64xi32, #tpu.memory_space<vmem>> -> memref<1x64xi32, #tpu.memory_space<vmem>>
    %dma_wait3A_79 = tpu.memref_squeeze %dma_wait3A_78 : memref<1x64xi32, #tpu.memory_space<vmem>> -> memref<64xi32, #tpu.memory_space<vmem>>
    %dma_wait3A_80 = arith.constant 0 : i32
    %dma_wait3A_81 = arith.constant 0 : i32
    %dma_wait3A_82 = tpu.memref_slice %arg2[%dma_wait3A_80, %dma_wait3A_81] : memref<1024x512xf32, #tpu.memory_space<hbm>> -> memref<1024x512xf32, #tpu.memory_space<hbm>>
    tpu.wait_indirect_dma semaphore(%arg9 : memref<!tpu.dma_semaphore, #tpu.memory_space<semaphore_mem>>) src(%dma_wait3A_82 : memref<1024x512xf32, #tpu.memory_space<hbm>>) dst(%arg7 : memref<64x512xf32, #tpu.memory_space<vmem>>)
    %dma_wait3A_83 = arith.constant 0 : i32
    %dma_wait3A_84 = tpu.memref_slice %arg4[%add3A_71, %dma_wait3A_83] : memref<16384x512xf32, #tpu.memory_space<hbm>> -> memref<64x512xf32, #tpu.memory_space<hbm>>
    %dma_wait3A_85 = arith.constant 0 : i32
    %dma_wait3A_86 = tpu.memref_slice %arg4[%add3A_71, %dma_wait3A_85] : memref<16384x512xf32, #tpu.memory_space<hbm>> -> memref<64x512xf32, #tpu.memory_space<hbm>>
    tpu.wait_dma2 semaphore(%arg10 : memref<!tpu.dma_semaphore, #tpu.memory_space<semaphore_mem>>) src(%arg6 : memref<64x512xf32, #tpu.memory_space<vmem>>) dst(%dma_wait3A_86 : memref<64x512xf32, #tpu.memory_space<hbm>>)
    %dma_start3A_87 = arith.constant 4 : i32
    %dma_start3A_88 = arith.constant 0 : i32
    %dma_start3A_89 = tpu.memref_slice %arg5[%dma_start3A_87, %dma_start3A_88] : memref<8x64xi32, #tpu.memory_space<vmem>> -> memref<1x64xi32, #tpu.memory_space<vmem>>
    %dma_start3A_90 = tpu.memref_squeeze %dma_start3A_89 : memref<1x64xi32, #tpu.memory_space<vmem>> -> memref<64xi32, #tpu.memory_space<vmem>>
    %dma_start3A_91 = arith.constant 0 : i32
    %dma_start3A_92 = arith.constant 0 : i32
    %dma_start3A_93 = tpu.memref_slice %arg2[%dma_start3A_91, %dma_start3A_92] : memref<1024x512xf32, #tpu.memory_space<hbm>> -> memref<1024x512xf32, #tpu.memory_space<hbm>>
    tpu.enqueue_indirect_dma source(%dma_start3A_93 : memref<1024x512xf32, #tpu.memory_space<hbm>>) target(%arg6 : memref<64x512xf32, #tpu.memory_space<vmem>>) offsets(%dma_start3A_90 : memref<64xi32, #tpu.memory_space<vmem>>) semaphore(%arg8 : memref<!tpu.dma_semaphore, #tpu.memory_space<semaphore_mem>>)
    %add3A_94 = arith.constant 192 : i32
    %add3A_95 = arith.addi %mul3A_2, %add3A_94 : i32
    %dma_start3A_96 = arith.constant 0 : i32
    %dma_start3A_97 = tpu.memref_slice %arg4[%add3A_95, %dma_start3A_96] : memref<16384x512xf32, #tpu.memory_space<hbm>> -> memref<64x512xf32, #tpu.memory_space<hbm>>
    %dma_start3A_98 = arith.constant 0 : i32
    %dma_start3A_99 = tpu.memref_slice %arg4[%add3A_95, %dma_start3A_98] : memref<16384x512xf32, #tpu.memory_space<hbm>> -> memref<64x512xf32, #tpu.memory_space<hbm>>
    tpu.enqueue_dma source(%arg7 : memref<64x512xf32, #tpu.memory_space<vmem>>) target(%dma_start3A_99 : memref<64x512xf32, #tpu.memory_space<hbm>>) target_semaphore(%arg11 : memref<!tpu.dma_semaphore, #tpu.memory_space<semaphore_mem>>)
    %dma_wait3A_100 = arith.constant 4 : i32
    %dma_wait3A_101 = arith.constant 0 : i32
    %dma_wait3A_102 = tpu.memref_slice %arg5[%dma_wait3A_100, %dma_wait3A_101] : memref<8x64xi32, #tpu.memory_space<vmem>> -> memref<1x64xi32, #tpu.memory_space<vmem>>
    %dma_wait3A_103 = tpu.memref_squeeze %dma_wait3A_102 : memref<1x64xi32, #tpu.memory_space<vmem>> -> memref<64xi32, #tpu.memory_space<vmem>>
    %dma_wait3A_104 = arith.constant 0 : i32
    %dma_wait3A_105 = arith.constant 0 : i32
    %dma_wait3A_106 = tpu.memref_slice %arg2[%dma_wait3A_104, %dma_wait3A_105] : memref<1024x512xf32, #tpu.memory_space<hbm>> -> memref<1024x512xf32, #tpu.memory_space<hbm>>
    tpu.wait_indirect_dma semaphore(%arg8 : memref<!tpu.dma_semaphore, #tpu.memory_space<semaphore_mem>>) src(%dma_wait3A_106 : memref<1024x512xf32, #tpu.memory_space<hbm>>) dst(%arg6 : memref<64x512xf32, #tpu.memory_space<vmem>>)
    %dma_wait3A_107 = arith.constant 0 : i32
    %dma_wait3A_108 = tpu.memref_slice %arg4[%add3A_95, %dma_wait3A_107] : memref<16384x512xf32, #tpu.memory_space<hbm>> -> memref<64x512xf32, #tpu.memory_space<hbm>>
    %dma_wait3A_109 = arith.constant 0 : i32
    %dma_wait3A_110 = tpu.memref_slice %arg4[%add3A_95, %dma_wait3A_109] : memref<16384x512xf32, #tpu.memory_space<hbm>> -> memref<64x512xf32, #tpu.memory_space<hbm>>
    tpu.wait_dma2 semaphore(%arg11 : memref<!tpu.dma_semaphore, #tpu.memory_space<semaphore_mem>>) src(%arg7 : memref<64x512xf32, #tpu.memory_space<vmem>>) dst(%dma_wait3A_110 : memref<64x512xf32, #tpu.memory_space<hbm>>)
    %dma_start3A_111 = arith.constant 5 : i32
    %dma_start3A_112 = arith.constant 0 : i32
    %dma_start3A_113 = tpu.memref_slice %arg5[%dma_start3A_111, %dma_start3A_112] : memref<8x64xi32, #tpu.memory_space<vmem>> -> memref<1x64xi32, #tpu.memory_space<vmem>>
    %dma_start3A_114 = tpu.memref_squeeze %dma_start3A_113 : memref<1x64xi32, #tpu.memory_space<vmem>> -> memref<64xi32, #tpu.memory_space<vmem>>
    %dma_start3A_115 = arith.constant 0 : i32
    %dma_start3A_116 = arith.constant 0 : i32
    %dma_start3A_117 = tpu.memref_slice %arg2[%dma_start3A_115, %dma_start3A_116] : memref<1024x512xf32, #tpu.memory_space<hbm>> -> memref<1024x512xf32, #tpu.memory_space<hbm>>
    tpu.enqueue_indirect_dma source(%dma_start3A_117 : memref<1024x512xf32, #tpu.memory_space<hbm>>) target(%arg7 : memref<64x512xf32, #tpu.memory_space<vmem>>) offsets(%dma_start3A_114 : memref<64xi32, #tpu.memory_space<vmem>>) semaphore(%arg9 : memref<!tpu.dma_semaphore, #tpu.memory_space<semaphore_mem>>)
    %add3A_118 = arith.constant 256 : i32
    %add3A_119 = arith.addi %mul3A_2, %add3A_118 : i32
    %dma_start3A_120 = arith.constant 0 : i32
    %dma_start3A_121 = tpu.memref_slice %arg4[%add3A_119, %dma_start3A_120] : memref<16384x512xf32, #tpu.memory_space<hbm>> -> memref<64x512xf32, #tpu.memory_space<hbm>>
    %dma_start3A_122 = arith.constant 0 : i32
    %dma_start3A_123 = tpu.memref_slice %arg4[%add3A_119, %dma_start3A_122] : memref<16384x512xf32, #tpu.memory_space<hbm>> -> memref<64x512xf32, #tpu.memory_space<hbm>>
    tpu.enqueue_dma source(%arg6 : memref<64x512xf32, #tpu.memory_space<vmem>>) target(%dma_start3A_123 : memref<64x512xf32, #tpu.memory_space<hbm>>) target_semaphore(%arg10 : memref<!tpu.dma_semaphore, #tpu.memory_space<semaphore_mem>>)
    %dma_wait3A_124 = arith.constant 5 : i32
    %dma_wait3A_125 = arith.constant 0 : i32
    %dma_wait3A_126 = tpu.memref_slice %arg5[%dma_wait3A_124, %dma_wait3A_125] : memref<8x64xi32, #tpu.memory_space<vmem>> -> memref<1x64xi32, #tpu.memory_space<vmem>>
    %dma_wait3A_127 = tpu.memref_squeeze %dma_wait3A_126 : memref<1x64xi32, #tpu.memory_space<vmem>> -> memref<64xi32, #tpu.memory_space<vmem>>
    %dma_wait3A_128 = arith.constant 0 : i32
    %dma_wait3A_129 = arith.constant 0 : i32
    %dma_wait3A_130 = tpu.memref_slice %arg2[%dma_wait3A_128, %dma_wait3A_129] : memref<1024x512xf32, #tpu.memory_space<hbm>> -> memref<1024x512xf32, #tpu.memory_space<hbm>>
    tpu.wait_indirect_dma semaphore(%arg9 : memref<!tpu.dma_semaphore, #tpu.memory_space<semaphore_mem>>) src(%dma_wait3A_130 : memref<1024x512xf32, #tpu.memory_space<hbm>>) dst(%arg7 : memref<64x512xf32, #tpu.memory_space<vmem>>)
    %dma_wait3A_131 = arith.constant 0 : i32
    %dma_wait3A_132 = tpu.memref_slice %arg4[%add3A_119, %dma_wait3A_131] : memref<16384x512xf32, #tpu.memory_space<hbm>> -> memref<64x512xf32, #tpu.memory_space<hbm>>
    %dma_wait3A_133 = arith.constant 0 : i32
    %dma_wait3A_134 = tpu.memref_slice %arg4[%add3A_119, %dma_wait3A_133] : memref<16384x512xf32, #tpu.memory_space<hbm>> -> memref<64x512xf32, #tpu.memory_space<hbm>>
    tpu.wait_dma2 semaphore(%arg10 : memref<!tpu.dma_semaphore, #tpu.memory_space<semaphore_mem>>) src(%arg6 : memref<64x512xf32, #tpu.memory_space<vmem>>) dst(%dma_wait3A_134 : memref<64x512xf32, #tpu.memory_space<hbm>>)
    %dma_start3A_135 = arith.constant 6 : i32
    %dma_start3A_136 = arith.constant 0 : i32
    %dma_start3A_137 = tpu.memref_slice %arg5[%dma_start3A_135, %dma_start3A_136] : memref<8x64xi32, #tpu.memory_space<vmem>> -> memref<1x64xi32, #tpu.memory_space<vmem>>
    %dma_start3A_138 = tpu.memref_squeeze %dma_start3A_137 : memref<1x64xi32, #tpu.memory_space<vmem>> -> memref<64xi32, #tpu.memory_space<vmem>>
    %dma_start3A_139 = arith.constant 0 : i32
    %dma_start3A_140 = arith.constant 0 : i32
    %dma_start3A_141 = tpu.memref_slice %arg2[%dma_start3A_139, %dma_start3A_140] : memref<1024x512xf32, #tpu.memory_space<hbm>> -> memref<1024x512xf32, #tpu.memory_space<hbm>>
    tpu.enqueue_indirect_dma source(%dma_start3A_141 : memref<1024x512xf32, #tpu.memory_space<hbm>>) target(%arg6 : memref<64x512xf32, #tpu.memory_space<vmem>>) offsets(%dma_start3A_138 : memref<64xi32, #tpu.memory_space<vmem>>) semaphore(%arg8 : memref<!tpu.dma_semaphore, #tpu.memory_space<semaphore_mem>>)
    %add3A_142 = arith.constant 320 : i32
    %add3A_143 = arith.addi %mul3A_2, %add3A_142 : i32
    %dma_start3A_144 = arith.constant 0 : i32
    %dma_start3A_145 = tpu.memref_slice %arg4[%add3A_143, %dma_start3A_144] : memref<16384x512xf32, #tpu.memory_space<hbm>> -> memref<64x512xf32, #tpu.memory_space<hbm>>
    %dma_start3A_146 = arith.constant 0 : i32
    %dma_start3A_147 = tpu.memref_slice %arg4[%add3A_143, %dma_start3A_146] : memref<16384x512xf32, #tpu.memory_space<hbm>> -> memref<64x512xf32, #tpu.memory_space<hbm>>
    tpu.enqueue_dma source(%arg7 : memref<64x512xf32, #tpu.memory_space<vmem>>) target(%dma_start3A_147 : memref<64x512xf32, #tpu.memory_space<hbm>>) target_semaphore(%arg11 : memref<!tpu.dma_semaphore, #tpu.memory_space<semaphore_mem>>)
    %dma_wait3A_148 = arith.constant 6 : i32
    %dma_wait3A_149 = arith.constant 0 : i32
    %dma_wait3A_150 = tpu.memref_slice %arg5[%dma_wait3A_148, %dma_wait3A_149] : memref<8x64xi32, #tpu.memory_space<vmem>> -> memref<1x64xi32, #tpu.memory_space<vmem>>
    %dma_wait3A_151 = tpu.memref_squeeze %dma_wait3A_150 : memref<1x64xi32, #tpu.memory_space<vmem>> -> memref<64xi32, #tpu.memory_space<vmem>>
    %dma_wait3A_152 = arith.constant 0 : i32
    %dma_wait3A_153 = arith.constant 0 : i32
    %dma_wait3A_154 = tpu.memref_slice %arg2[%dma_wait3A_152, %dma_wait3A_153] : memref<1024x512xf32, #tpu.memory_space<hbm>> -> memref<1024x512xf32, #tpu.memory_space<hbm>>
    tpu.wait_indirect_dma semaphore(%arg8 : memref<!tpu.dma_semaphore, #tpu.memory_space<semaphore_mem>>) src(%dma_wait3A_154 : memref<1024x512xf32, #tpu.memory_space<hbm>>) dst(%arg6 : memref<64x512xf32, #tpu.memory_space<vmem>>)
    %dma_wait3A_155 = arith.constant 0 : i32
    %dma_wait3A_156 = tpu.memref_slice %arg4[%add3A_143, %dma_wait3A_155] : memref<16384x512xf32, #tpu.memory_space<hbm>> -> memref<64x512xf32, #tpu.memory_space<hbm>>
    %dma_wait3A_157 = arith.constant 0 : i32
    %dma_wait3A_158 = tpu.memref_slice %arg4[%add3A_143, %dma_wait3A_157] : memref<16384x512xf32, #tpu.memory_space<hbm>> -> memref<64x512xf32, #tpu.memory_space<hbm>>
    tpu.wait_dma2 semaphore(%arg11 : memref<!tpu.dma_semaphore, #tpu.memory_space<semaphore_mem>>) src(%arg7 : memref<64x512xf32, #tpu.memory_space<vmem>>) dst(%dma_wait3A_158 : memref<64x512xf32, #tpu.memory_space<hbm>>)
    %dma_start3A_159 = arith.constant 7 : i32
    %dma_start3A_160 = arith.constant 0 : i32
    %dma_start3A_161 = tpu.memref_slice %arg5[%dma_start3A_159, %dma_start3A_160] : memref<8x64xi32, #tpu.memory_space<vmem>> -> memref<1x64xi32, #tpu.memory_space<vmem>>
    %dma_start3A_162 = tpu.memref_squeeze %dma_start3A_161 : memref<1x64xi32, #tpu.memory_space<vmem>> -> memref<64xi32, #tpu.memory_space<vmem>>
    %dma_start3A_163 = arith.constant 0 : i32
    %dma_start3A_164 = arith.constant 0 : i32
    %dma_start3A_165 = tpu.memref_slice %arg2[%dma_start3A_163, %dma_start3A_164] : memref<1024x512xf32, #tpu.memory_space<hbm>> -> memref<1024x512xf32, #tpu.memory_space<hbm>>
    tpu.enqueue_indirect_dma source(%dma_start3A_165 : memref<1024x512xf32, #tpu.memory_space<hbm>>) target(%arg7 : memref<64x512xf32, #tpu.memory_space<vmem>>) offsets(%dma_start3A_162 : memref<64xi32, #tpu.memory_space<vmem>>) semaphore(%arg9 : memref<!tpu.dma_semaphore, #tpu.memory_space<semaphore_mem>>)
    %add3A_166 = arith.constant 384 : i32
    %add3A_167 = arith.addi %mul3A_2, %add3A_166 : i32
    %dma_start3A_168 = arith.constant 0 : i32
    %dma_start3A_169 = tpu.memref_slice %arg4[%add3A_167, %dma_start3A_168] : memref<16384x512xf32, #tpu.memory_space<hbm>> -> memref<64x512xf32, #tpu.memory_space<hbm>>
    %dma_start3A_170 = arith.constant 0 : i32
    %dma_start3A_171 = tpu.memref_slice %arg4[%add3A_167, %dma_start3A_170] : memref<16384x512xf32, #tpu.memory_space<hbm>> -> memref<64x512xf32, #tpu.memory_space<hbm>>
    tpu.enqueue_dma source(%arg6 : memref<64x512xf32, #tpu.memory_space<vmem>>) target(%dma_start3A_171 : memref<64x512xf32, #tpu.memory_space<hbm>>) target_semaphore(%arg10 : memref<!tpu.dma_semaphore, #tpu.memory_space<semaphore_mem>>)
    %dma_wait3A_172 = arith.constant 7 : i32
    %dma_wait3A_173 = arith.constant 0 : i32
    %dma_wait3A_174 = tpu.memref_slice %arg5[%dma_wait3A_172, %dma_wait3A_173] : memref<8x64xi32, #tpu.memory_space<vmem>> -> memref<1x64xi32, #tpu.memory_space<vmem>>
    %dma_wait3A_175 = tpu.memref_squeeze %dma_wait3A_174 : memref<1x64xi32, #tpu.memory_space<vmem>> -> memref<64xi32, #tpu.memory_space<vmem>>
    %dma_wait3A_176 = arith.constant 0 : i32
    %dma_wait3A_177 = arith.constant 0 : i32
    %dma_wait3A_178 = tpu.memref_slice %arg2[%dma_wait3A_176, %dma_wait3A_177] : memref<1024x512xf32, #tpu.memory_space<hbm>> -> memref<1024x512xf32, #tpu.memory_space<hbm>>
    tpu.wait_indirect_dma semaphore(%arg9 : memref<!tpu.dma_semaphore, #tpu.memory_space<semaphore_mem>>) src(%dma_wait3A_178 : memref<1024x512xf32, #tpu.memory_space<hbm>>) dst(%arg7 : memref<64x512xf32, #tpu.memory_space<vmem>>)
    %dma_wait3A_179 = arith.constant 0 : i32
    %dma_wait3A_180 = tpu.memref_slice %arg4[%add3A_167, %dma_wait3A_179] : memref<16384x512xf32, #tpu.memory_space<hbm>> -> memref<64x512xf32, #tpu.memory_space<hbm>>
    %dma_wait3A_181 = arith.constant 0 : i32
    %dma_wait3A_182 = tpu.memref_slice %arg4[%add3A_167, %dma_wait3A_181] : memref<16384x512xf32, #tpu.memory_space<hbm>> -> memref<64x512xf32, #tpu.memory_space<hbm>>
    tpu.wait_dma2 semaphore(%arg10 : memref<!tpu.dma_semaphore, #tpu.memory_space<semaphore_mem>>) src(%arg6 : memref<64x512xf32, #tpu.memory_space<vmem>>) dst(%dma_wait3A_182 : memref<64x512xf32, #tpu.memory_space<hbm>>)
    %add3A_183 = arith.constant 448 : i32
    %add3A_184 = arith.addi %mul3A_2, %add3A_183 : i32
    %dma_start3A_185 = arith.constant 0 : i32
    %dma_start3A_186 = tpu.memref_slice %arg4[%add3A_184, %dma_start3A_185] : memref<16384x512xf32, #tpu.memory_space<hbm>> -> memref<64x512xf32, #tpu.memory_space<hbm>>
    %dma_start3A_187 = arith.constant 0 : i32
    %dma_start3A_188 = tpu.memref_slice %arg4[%add3A_184, %dma_start3A_187] : memref<16384x512xf32, #tpu.memory_space<hbm>> -> memref<64x512xf32, #tpu.memory_space<hbm>>
    tpu.enqueue_dma source(%arg7 : memref<64x512xf32, #tpu.memory_space<vmem>>) target(%dma_start3A_188 : memref<64x512xf32, #tpu.memory_space<hbm>>) target_semaphore(%arg11 : memref<!tpu.dma_semaphore, #tpu.memory_space<semaphore_mem>>)
    %dma_wait3A_189 = arith.constant 0 : i32
    %dma_wait3A_190 = tpu.memref_slice %arg4[%add3A_184, %dma_wait3A_189] : memref<16384x512xf32, #tpu.memory_space<hbm>> -> memref<64x512xf32, #tpu.memory_space<hbm>>
    %dma_wait3A_191 = arith.constant 0 : i32
    %dma_wait3A_192 = tpu.memref_slice %arg4[%add3A_184, %dma_wait3A_191] : memref<16384x512xf32, #tpu.memory_space<hbm>> -> memref<64x512xf32, #tpu.memory_space<hbm>>
    tpu.wait_dma2 semaphore(%arg11 : memref<!tpu.dma_semaphore, #tpu.memory_space<semaphore_mem>>) src(%arg7 : memref<64x512xf32, #tpu.memory_space<vmem>>) dst(%dma_wait3A_192 : memref<64x512xf32, #tpu.memory_space<hbm>>)
    return
  }
}

module attributes {stable_mosaic.version = 14 : i64} {
  func.func @_norm_body(%arg0: memref<1024x512xf32, #tpu.memory_space<vmem>>, %arg1: memref<1024x512xf32, #tpu.memory_space<vmem>>) attributes {dimension_semantics = [], scalar_prefetch = 0 : i64, scratch_operands = 0 : i64, tpu.core_type = #tpu.core_type<tc>} {
    %get3A = arith.constant 0 : index
    %get3A_0 = arith.constant 0 : index
    %get3A_1 = vector.load %arg0[%get3A, %get3A_0] : memref<1024x512xf32, #tpu.memory_space<vmem>>, vector<1024x512xf32>
    %neg3A = arith.constant 0.000000e+00 : f32
    %neg3A_2 = vector.broadcast %neg3A : f32 to vector<1024x512xf32>
    %neg3A_3 = arith.subf %neg3A_2, %get3A_1 : vector<1024x512xf32>
    %exp3A = math.exp %neg3A_3 : vector<1024x512xf32>
    %add3A = arith.constant 1.000000e+00 : f32
    %add3A_4 = vector.broadcast %add3A : f32 to vector<1024x512xf32>
    %add3A_5 = arith.addf %add3A_4, %exp3A : vector<1024x512xf32>
    %div3A = arith.constant 1.000000e+00 : f32
    %div3A_6 = vector.broadcast %div3A : f32 to vector<1024x512xf32>
    %div3A_7 = arith.divf %div3A_6, %add3A_5 : vector<1024x512xf32>
    %slice3A = vector.extract_strided_slice %div3A_7 {offsets = [0, 0], sizes = [1024, 64], strides = [1, 1]} : vector<1024x512xf32> to vector<1024x64xf32>
    %reduce_sum3A = arith.constant dense<0.000000e+00> : vector<1024xf32>
    %reduce_sum3A_8 = vector.multi_reduction <add>, %slice3A, %reduce_sum3A [1] : vector<1024x64xf32> to vector<1024xf32>
    %broadcast_in_dim3A = vector.shape_cast %reduce_sum3A_8 : vector<1024xf32> to vector<1024x1xf32>
    %add3A_9 = arith.constant 9.99999996E-13 : f32
    %add3A_10 = vector.broadcast %add3A_9 : f32 to vector<1024x1xf32>
    %add3A_11 = arith.addf %broadcast_in_dim3A, %add3A_10 : vector<1024x1xf32>
    %div3A_12 = arith.constant 1.000000e+00 : f32
    %div3A_13 = vector.broadcast %div3A_12 : f32 to vector<1024x1xf32>
    %div3A_14 = arith.divf %div3A_13, %add3A_11 : vector<1024x1xf32>
    %mul3A = vector.broadcast %div3A_14 : vector<1024x1xf32> to vector<1024x64xf32>
    %mul3A_15 = arith.mulf %slice3A, %mul3A : vector<1024x64xf32>
    %swap3A = arith.constant 0 : index
    %swap3A_16 = arith.constant 0 : index
    %swap3A_17 = vector.load %arg1[%swap3A, %swap3A_16] : memref<1024x512xf32, #tpu.memory_space<vmem>>, vector<1024x64xf32>
    tpu.vector_store %arg1[%swap3A, %swap3A_16], %mul3A_15 {strides = array<i32>} : memref<1024x512xf32, #tpu.memory_space<vmem>>, vector<1024x64xf32>,
    %slice3A_18 = vector.extract_strided_slice %div3A_7 {offsets = [0, 64], sizes = [1024, 64], strides = [1, 1]} : vector<1024x512xf32> to vector<1024x64xf32>
    %reduce_sum3A_19 = arith.constant dense<0.000000e+00> : vector<1024xf32>
    %reduce_sum3A_20 = vector.multi_reduction <add>, %slice3A_18, %reduce_sum3A_19 [1] : vector<1024x64xf32> to vector<1024xf32>
    %broadcast_in_dim3A_21 = vector.shape_cast %reduce_sum3A_20 : vector<1024xf32> to vector<1024x1xf32>
    %add3A_22 = arith.constant 9.99999996E-13 : f32
    %add3A_23 = vector.broadcast %add3A_22 : f32 to vector<1024x1xf32>
    %add3A_24 = arith.addf %broadcast_in_dim3A_21, %add3A_23 : vector<1024x1xf32>
    %div3A_25 = arith.constant 1.000000e+00 : f32
    %div3A_26 = vector.broadcast %div3A_25 : f32 to vector<1024x1xf32>
    %div3A_27 = arith.divf %div3A_26, %add3A_24 : vector<1024x1xf32>
    %mul3A_28 = vector.broadcast %div3A_27 : vector<1024x1xf32> to vector<1024x64xf32>
    %mul3A_29 = arith.mulf %slice3A_18, %mul3A_28 : vector<1024x64xf32>
    %swap3A_30 = arith.constant 0 : index
    %swap3A_31 = arith.constant 64 : index
    %swap3A_32 = vector.load %arg1[%swap3A_30, %swap3A_31] : memref<1024x512xf32, #tpu.memory_space<vmem>>, vector<1024x64xf32>
    tpu.vector_store %arg1[%swap3A_30, %swap3A_31], %mul3A_29 {strides = array<i32>} : memref<1024x512xf32, #tpu.memory_space<vmem>>, vector<1024x64xf32>,
    %slice3A_33 = vector.extract_strided_slice %div3A_7 {offsets = [0, 128], sizes = [1024, 64], strides = [1, 1]} : vector<1024x512xf32> to vector<1024x64xf32>
    %reduce_sum3A_34 = arith.constant dense<0.000000e+00> : vector<1024xf32>
    %reduce_sum3A_35 = vector.multi_reduction <add>, %slice3A_33, %reduce_sum3A_34 [1] : vector<1024x64xf32> to vector<1024xf32>
    %broadcast_in_dim3A_36 = vector.shape_cast %reduce_sum3A_35 : vector<1024xf32> to vector<1024x1xf32>
    %add3A_37 = arith.constant 9.99999996E-13 : f32
    %add3A_38 = vector.broadcast %add3A_37 : f32 to vector<1024x1xf32>
    %add3A_39 = arith.addf %broadcast_in_dim3A_36, %add3A_38 : vector<1024x1xf32>
    %div3A_40 = arith.constant 1.000000e+00 : f32
    %div3A_41 = vector.broadcast %div3A_40 : f32 to vector<1024x1xf32>
    %div3A_42 = arith.divf %div3A_41, %add3A_39 : vector<1024x1xf32>
    %mul3A_43 = vector.broadcast %div3A_42 : vector<1024x1xf32> to vector<1024x64xf32>
    %mul3A_44 = arith.mulf %slice3A_33, %mul3A_43 : vector<1024x64xf32>
    %swap3A_45 = arith.constant 0 : index
    %swap3A_46 = arith.constant 128 : index
    %swap3A_47 = vector.load %arg1[%swap3A_45, %swap3A_46] : memref<1024x512xf32, #tpu.memory_space<vmem>>, vector<1024x64xf32>
    tpu.vector_store %arg1[%swap3A_45, %swap3A_46], %mul3A_44 {strides = array<i32>} : memref<1024x512xf32, #tpu.memory_space<vmem>>, vector<1024x64xf32>,
    %slice3A_48 = vector.extract_strided_slice %div3A_7 {offsets = [0, 192], sizes = [1024, 64], strides = [1, 1]} : vector<1024x512xf32> to vector<1024x64xf32>
    %reduce_sum3A_49 = arith.constant dense<0.000000e+00> : vector<1024xf32>
    %reduce_sum3A_50 = vector.multi_reduction <add>, %slice3A_48, %reduce_sum3A_49 [1] : vector<1024x64xf32> to vector<1024xf32>
    %broadcast_in_dim3A_51 = vector.shape_cast %reduce_sum3A_50 : vector<1024xf32> to vector<1024x1xf32>
    %add3A_52 = arith.constant 9.99999996E-13 : f32
    %add3A_53 = vector.broadcast %add3A_52 : f32 to vector<1024x1xf32>
    %add3A_54 = arith.addf %broadcast_in_dim3A_51, %add3A_53 : vector<1024x1xf32>
    %div3A_55 = arith.constant 1.000000e+00 : f32
    %div3A_56 = vector.broadcast %div3A_55 : f32 to vector<1024x1xf32>
    %div3A_57 = arith.divf %div3A_56, %add3A_54 : vector<1024x1xf32>
    %mul3A_58 = vector.broadcast %div3A_57 : vector<1024x1xf32> to vector<1024x64xf32>
    %mul3A_59 = arith.mulf %slice3A_48, %mul3A_58 : vector<1024x64xf32>
    %swap3A_60 = arith.constant 0 : index
    %swap3A_61 = arith.constant 192 : index
    %swap3A_62 = vector.load %arg1[%swap3A_60, %swap3A_61] : memref<1024x512xf32, #tpu.memory_space<vmem>>, vector<1024x64xf32>
    tpu.vector_store %arg1[%swap3A_60, %swap3A_61], %mul3A_59 {strides = array<i32>} : memref<1024x512xf32, #tpu.memory_space<vmem>>, vector<1024x64xf32>,
    %slice3A_63 = vector.extract_strided_slice %div3A_7 {offsets = [0, 256], sizes = [1024, 64], strides = [1, 1]} : vector<1024x512xf32> to vector<1024x64xf32>
    %reduce_sum3A_64 = arith.constant dense<0.000000e+00> : vector<1024xf32>
    %reduce_sum3A_65 = vector.multi_reduction <add>, %slice3A_63, %reduce_sum3A_64 [1] : vector<1024x64xf32> to vector<1024xf32>
    %broadcast_in_dim3A_66 = vector.shape_cast %reduce_sum3A_65 : vector<1024xf32> to vector<1024x1xf32>
    %add3A_67 = arith.constant 9.99999996E-13 : f32
    %add3A_68 = vector.broadcast %add3A_67 : f32 to vector<1024x1xf32>
    %add3A_69 = arith.addf %broadcast_in_dim3A_66, %add3A_68 : vector<1024x1xf32>
    %div3A_70 = arith.constant 1.000000e+00 : f32
    %div3A_71 = vector.broadcast %div3A_70 : f32 to vector<1024x1xf32>
    %div3A_72 = arith.divf %div3A_71, %add3A_69 : vector<1024x1xf32>
    %mul3A_73 = vector.broadcast %div3A_72 : vector<1024x1xf32> to vector<1024x64xf32>
    %mul3A_74 = arith.mulf %slice3A_63, %mul3A_73 : vector<1024x64xf32>
    %swap3A_75 = arith.constant 0 : index
    %swap3A_76 = arith.constant 256 : index
    %swap3A_77 = vector.load %arg1[%swap3A_75, %swap3A_76] : memref<1024x512xf32, #tpu.memory_space<vmem>>, vector<1024x64xf32>
    tpu.vector_store %arg1[%swap3A_75, %swap3A_76], %mul3A_74 {strides = array<i32>} : memref<1024x512xf32, #tpu.memory_space<vmem>>, vector<1024x64xf32>,
    %slice3A_78 = vector.extract_strided_slice %div3A_7 {offsets = [0, 320], sizes = [1024, 64], strides = [1, 1]} : vector<1024x512xf32> to vector<1024x64xf32>
    %reduce_sum3A_79 = arith.constant dense<0.000000e+00> : vector<1024xf32>
    %reduce_sum3A_80 = vector.multi_reduction <add>, %slice3A_78, %reduce_sum3A_79 [1] : vector<1024x64xf32> to vector<1024xf32>
    %broadcast_in_dim3A_81 = vector.shape_cast %reduce_sum3A_80 : vector<1024xf32> to vector<1024x1xf32>
    %add3A_82 = arith.constant 9.99999996E-13 : f32
    %add3A_83 = vector.broadcast %add3A_82 : f32 to vector<1024x1xf32>
    %add3A_84 = arith.addf %broadcast_in_dim3A_81, %add3A_83 : vector<1024x1xf32>
    %div3A_85 = arith.constant 1.000000e+00 : f32
    %div3A_86 = vector.broadcast %div3A_85 : f32 to vector<1024x1xf32>
    %div3A_87 = arith.divf %div3A_86, %add3A_84 : vector<1024x1xf32>
    %mul3A_88 = vector.broadcast %div3A_87 : vector<1024x1xf32> to vector<1024x64xf32>
    %mul3A_89 = arith.mulf %slice3A_78, %mul3A_88 : vector<1024x64xf32>
    %swap3A_90 = arith.constant 0 : index
    %swap3A_91 = arith.constant 320 : index
    %swap3A_92 = vector.load %arg1[%swap3A_90, %swap3A_91] : memref<1024x512xf32, #tpu.memory_space<vmem>>, vector<1024x64xf32>
    tpu.vector_store %arg1[%swap3A_90, %swap3A_91], %mul3A_89 {strides = array<i32>} : memref<1024x512xf32, #tpu.memory_space<vmem>>, vector<1024x64xf32>,
    %slice3A_93 = vector.extract_strided_slice %div3A_7 {offsets = [0, 384], sizes = [1024, 64], strides = [1, 1]} : vector<1024x512xf32> to vector<1024x64xf32>
    %reduce_sum3A_94 = arith.constant dense<0.000000e+00> : vector<1024xf32>
    %reduce_sum3A_95 = vector.multi_reduction <add>, %slice3A_93, %reduce_sum3A_94 [1] : vector<1024x64xf32> to vector<1024xf32>
    %broadcast_in_dim3A_96 = vector.shape_cast %reduce_sum3A_95 : vector<1024xf32> to vector<1024x1xf32>
    %add3A_97 = arith.constant 9.99999996E-13 : f32
    %add3A_98 = vector.broadcast %add3A_97 : f32 to vector<1024x1xf32>
    %add3A_99 = arith.addf %broadcast_in_dim3A_96, %add3A_98 : vector<1024x1xf32>
    %div3A_100 = arith.constant 1.000000e+00 : f32
    %div3A_101 = vector.broadcast %div3A_100 : f32 to vector<1024x1xf32>
    %div3A_102 = arith.divf %div3A_101, %add3A_99 : vector<1024x1xf32>
    %mul3A_103 = vector.broadcast %div3A_102 : vector<1024x1xf32> to vector<1024x64xf32>
    %mul3A_104 = arith.mulf %slice3A_93, %mul3A_103 : vector<1024x64xf32>
    %swap3A_105 = arith.constant 0 : index
    %swap3A_106 = arith.constant 384 : index
    %swap3A_107 = vector.load %arg1[%swap3A_105, %swap3A_106] : memref<1024x512xf32, #tpu.memory_space<vmem>>, vector<1024x64xf32>
    tpu.vector_store %arg1[%swap3A_105, %swap3A_106], %mul3A_104 {strides = array<i32>} : memref<1024x512xf32, #tpu.memory_space<vmem>>, vector<1024x64xf32>,
    %slice3A_108 = vector.extract_strided_slice %div3A_7 {offsets = [0, 448], sizes = [1024, 64], strides = [1, 1]} : vector<1024x512xf32> to vector<1024x64xf32>
    %reduce_sum3A_109 = arith.constant dense<0.000000e+00> : vector<1024xf32>
    %reduce_sum3A_110 = vector.multi_reduction <add>, %slice3A_108, %reduce_sum3A_109 [1] : vector<1024x64xf32> to vector<1024xf32>
    %broadcast_in_dim3A_111 = vector.shape_cast %reduce_sum3A_110 : vector<1024xf32> to vector<1024x1xf32>
    %add3A_112 = arith.constant 9.99999996E-13 : f32
    %add3A_113 = vector.broadcast %add3A_112 : f32 to vector<1024x1xf32>
    %add3A_114 = arith.addf %broadcast_in_dim3A_111, %add3A_113 : vector<1024x1xf32>
    %div3A_115 = arith.constant 1.000000e+00 : f32
    %div3A_116 = vector.broadcast %div3A_115 : f32 to vector<1024x1xf32>
    %div3A_117 = arith.divf %div3A_116, %add3A_114 : vector<1024x1xf32>
    %mul3A_118 = vector.broadcast %div3A_117 : vector<1024x1xf32> to vector<1024x64xf32>
    %mul3A_119 = arith.mulf %slice3A_108, %mul3A_118 : vector<1024x64xf32>
    %swap3A_120 = arith.constant 0 : index
    %swap3A_121 = arith.constant 448 : index
    %swap3A_122 = vector.load %arg1[%swap3A_120, %swap3A_121] : memref<1024x512xf32, #tpu.memory_space<vmem>>, vector<1024x64xf32>
    tpu.vector_store %arg1[%swap3A_120, %swap3A_121], %mul3A_119 {strides = array<i32>} : memref<1024x512xf32, #tpu.memory_space<vmem>>, vector<1024x64xf32>,
    return
  }
}

</mosaic_0001>

<sc_bundles>
// kernel: kernel.4.cloned.1.call-start
scs
__scs_entry_jumppad:
0x0: {  	(pc) =	sbr.rel $0x88, $3  }
0x1: {  	(tag) =	ssettag $0x0;
	lr =	simm.s32 $0x1  }
0x2: {  	[smem:$0x3F9F] =	sst lr;
	_ =	strace $0xD0000000  }
0x3: {  	_ = 	snop  }
0x4: {  	_ = 	snop  }
0x5: {  	_ = 	snop  }
0x6: {  	_ = 	snop  }
0x7: {  	_ = 	snop  }
__scs_overlays_trampoline_lowered:
0x8: {  	[smem:$0x3FAE] =	sst s0  }
0x9: {  	[smem:$0x3FAF] =	sst s1  }
0xa: {  	[smem:$0x3FB0] =	sst s2  }
0xb: {  	[smem:$0x3FB1] =	sst s3  }
0xc: {  	[smem:$0x3FB2] =	sst s4  }
0xd: {  	[smem:$0x3FB3] =	sst s5  }
0xe: {  	[smem:$0x3FB4] =	sst s6  }
0xf: {  	[smem:$0x3FB5] =	sst s7  }
0x10: {  	[smem:$0x3FB6] =	sst s8  }
0x11: {  	[smem:$0x3FB7] =	sst s9;
	s0 =	simm.s32 @!p0 $0x0  }
0x12: {  	s1 =	sld [smem:$0x3F9D];
	s0 =	simm.s32 @p0 $0x1  }
0x13: {  	[smem:$0x3FB8] =	sst s0;
	s0 =	simm.s32 @!p1 $0x0  }
0x14: {  	s2 =	sld [smem:$0x3F9C];
	s0 =	simm.s32 @p1 $0x1  }
0x15: {  	[smem:$0x3FB9] =	sst s0;
	s0 =	simm.s32 @!p2 $0x0  }
0x16: {  	s3 =	sld [smem:$0x3FDB];
	s0 =	simm.s32 @p2 $0x1  }
0x17: {  	s4 =	simm.s32 $0x1BF5;
	[smem:$0x3FBB] =	sst s0  }
0x18: {  	s0 =	sld [smem:$0x3F9E];
	_ =	swait.ge [sflag:s4], $0x0  }
0x19: {  	s7 =	sld [smem:$0x3F9F]  }
0x1a: {  	s8 =	sadd.s32 $0xFFFFE003, lr  }
0x1b: {  	s9 =	sadd.s32 $0xFFFFFEF7, lr;
	s5 =	simm.s32 $0xFFFFFFFF;
	p2 =	slt.u32 s8, $0xFFFFF086  }
0x1c: {  	p1 =	slt.u32 s9, $0xF7A;
	s5 =	simm.s32 @!p2 $0x0  }
0x1d: {  	s5 =	simm.s32 @p1 $0x1;
	p0 =	seq.s32 s7, s2  }
0x1e: {  	s7 =	smul.u32 @!p0 $0xF7A, s2;
	p2 =	seq.s32 @!p0 s5, $0x0  }
0x1f: {  	s9 =	smul.u32 $0xF7A, s1;
	s8 =	simm.s32 @!p0 $0x1BF5;
	p2 =	por !p2, p0  }
0x20: {  	[sflag:s8] =	ssyncset.s32 @!p0 $0xFFFFF086;
	s6 =	sadd.s32 @!p0 s3, s7;
	s7 =	simm.s32 @!p0 $0x108  }
0x21: {  	s3 =	sadd.s32 s3, s9;
	s6 =	sadd.s32 @!p0 $0x88, s6;
	s7 =	simm.s32 @p2 $0x1082  }
0x22: {  	[simem:s7], [sflag:s8] =	dma.local @!p0 [hbm:s6], $0xF7A  }
0x23: {  	s9 =	sor.u32 $0xD0000000, s2;
	s6 =	simm.s32 $0x108;
	_ =	swait.ge @!p0 [sflag:s8], $0x0  }
0x24: {  	s3 =	sadd.s32 $0x88, s3;
	s6 =	simm.s32 @!p1 $0x1082;
	[sflag:s4] =	ssyncset.s32 $0xFFFFF086  }
0x25: {  	[simem:s6], [sflag:s4] =	dma.local [hbm:s3], $0xF7A  }
0x26: {  	[smem:$0x3F9F] =	sst s1;
	(tag) =	ssettag s2;
	_ =	strace s9  }
0x27: {  	s1 =	sld [smem:$0x3FAF]  }
0x28: {  	s2 =	sld [smem:$0x3FB0]  }
0x29: {  	s4 =	sld [smem:$0x3FB2]  }
0x2a: {  	p0 =	seq.s32 s5, $0x0;
	s5 =	sld [smem:$0x3FB3]  }
0x2b: {  	s6 =	sld [smem:$0x3FB4]  }
0x2c: {  	s7 =	sld [smem:$0x3FB5]  }
0x2d: {  	s3 =	simm.s32 $0x108;
	s8 =	sld [smem:$0x3FB6]  }
0x2e: {  	s3 =	simm.s32 @!p0 $0x1082;
	s9 =	sld [smem:$0x3FB7]  }
0x2f: {  	lr =	sadd.s32 s0, s3;
	s0 =	sld [smem:$0x3FAE]  }
0x30: {  	s3 =	sld [smem:$0x3FB1]  }
0x31: {  	[smem:$0x3FBA] =	sst s10  }
0x32: {  	s10 =	sld [smem:$0x3FB8];
	_ =	sdelay $0x3  }
0x33: {  	p0 =	seq.s32 s10, $0x1;
	s10 =	sld [smem:$0x3FBA];
	_ =	sdelay $0x3  }
0x34: {  	[smem:$0x3FBA] =	sst s10  }
0x35: {  	s10 =	sld [smem:$0x3FB9];
	_ =	sdelay $0x3  }
0x36: {  	p1 =	seq.s32 s10, $0x1;
	s10 =	sld [smem:$0x3FBA];
	_ =	sdelay $0x3  }
0x37: {  	[smem:$0x3FBA] =	sst s10  }
0x38: {  	s10 =	sld [smem:$0x3FBB]  }
0x39: {  	_ = 	snop;
	(pc) =	sbr.ind lr, $3  }
0x3a: {  	_ = 	snop  }
0x3b: {  	_ = 	snop  }
0x3c: {  	p2 =	seq.s32 s10, $0x1;
	s10 =	sld [smem:$0x3FBA]  }
0x3d: {  	_ =	shalt  }
0x3e: {  	_ =	shalt  }
0x3f: {  	_ =	shalt  }
0x40: {  	_ =	shalt  }
0x41: {  	_ =	shalt  }
0x42: {  	_ =	shalt  }
0x43: {  	_ =	shalt  }
0x44: {  	_ =	shalt  }
0x45: {  	_ =	shalt  }
0x46: {  	_ =	shalt  }
0x47: {  	_ =	shalt  }
0x48: {  	_ =	shalt  }
0x49: {  	_ =	shalt  }
0x4a: {  	_ =	shalt  }
0x4b: {  	_ =	shalt  }
0x4c: {  	_ =	shalt  }
0x4d: {  	_ =	shalt  }
0x4e: {  	_ =	shalt  }
0x4f: {  	_ =	shalt  }
0x50: {  	_ =	shalt  }
0x51: {  	_ =	shalt  }
0x52: {  	_ =	shalt  }
0x53: {  	_ =	shalt  }
0x54: {  	_ =	shalt  }
0x55: {  	_ =	shalt  }
0x56: {  	_ =	shalt  }
0x57: {  	_ =	shalt  }
0x58: {  	_ =	shalt  }
0x59: {  	_ =	shalt  }
0x5a: {  	_ =	shalt  }
0x5b: {  	_ =	shalt  }
0x5c: {  	_ =	shalt  }
0x5d: {  	_ =	shalt  }
0x5e: {  	_ =	shalt  }
0x5f: {  	_ =	shalt  }
0x60: {  	_ =	shalt  }
0x61: {  	_ =	shalt  }
0x62: {  	_ =	shalt  }
0x63: {  	_ =	shalt  }
0x64: {  	_ =	shalt  }
0x65: {  	_ =	shalt  }
0x66: {  	_ =	shalt  }
0x67: {  	_ =	shalt  }
0x68: {  	_ =	shalt  }
0x69: {  	_ =	shalt  }
0x6a: {  	_ =	shalt  }
0x6b: {  	_ =	shalt  }
0x6c: {  	_ =	shalt  }
0x6d: {  	_ =	shalt  }
0x6e: {  	_ =	shalt  }
0x6f: {  	_ =	shalt  }
0x70: {  	_ =	shalt  }
0x71: {  	_ =	shalt  }
0x72: {  	_ =	shalt  }
0x73: {  	_ =	shalt  }
0x74: {  	_ =	shalt  }
0x75: {  	_ =	shalt  }
0x76: {  	_ =	shalt  }
0x77: {  	_ =	shalt  }
0x78: {  	_ =	shalt  }
0x79: {  	_ =	shalt  }
0x7a: {  	_ =	shalt  }
0x7b: {  	_ =	shalt  }
0x7c: {  	_ =	shalt  }
0x7d: {  	_ =	shalt  }
0x7e: {  	_ =	shalt  }
0x7f: {  	_ =	shalt  }
0x80: {  	_ =	shalt  }
0x81: {  	_ =	shalt  }
0x82: {  	_ =	shalt  }
0x83: {  	_ =	shalt  }
0x84: {  	_ =	shalt  }
0x85: {  	_ =	shalt  }
0x86: {  	_ =	shalt  }
0x87: {  	_ =	shalt  }
.Lfunc_end0:
.L_simem_size_0:
called_computation_lowered:
.L_overlay_start_0:
0x88: {  	s2 =	sld [smem:$0x3FD9]  }
0x89: {  	s3 =	sld [smem:$0x3FFE];
	_ =	sdelay $0x1  }
0x8a: {  	s1 =	srdreg.scid  }
0x8b: {  	s0 =	sand.u32 $0x1, s1  }
0x8c: {  	s17 =	sshll.u32 s0, $0xA;
	s2 =	sadd.s32 s3, s2  }
0x8d: {  	s2 =	sadd.s32 s2, s17  }
0x8e: {  	[smem:$0x3FC6] =	sst s2  }
0x8f: {  	_ = 	snop  }
0x90: {  	s2 =	sld [smem:$0x3FD0];
	(tm) =	ssettm $0x1  }
0x91: {  	s18 =	sld [smem:$0x3FFB];
	_ =	sdelay $0x3  }
0x92: {  	_ =	strace s18  }
0x93: {  	s3 =	sld [smem:$0x3FFC];
	_ =	sdelay $0x3  }
0x94: {  	_ =	strace s3  }
0x95: {  	s3 =	sld [smem:$0x3FFD];
	_ =	sdelay $0x3  }
0x96: {  	_ =	strace s3  }
0x97: {  	_ =	strace $0x8FFFFFFF  }
0x98: {  	s19 =	sld [smem:$0x3FDB];
	_ =	sdelay $0x1  }
0x99: {  	s4 =	simm.s32 $_scs_section_size  }
0x9a: {  	s5 =	simm.s32 $_size__tile_overlayer_lowered;
	s6 =	simm.s32 $_tile_overlayer_lowered  }
0x9b: {  	s22 =	simm.s32 $0x1BFF;
	s21 =	sshll.u32 s6, $0x1;
	s3 =	sadd.s32 s4, s19  }
0x9c: {  	s7 =	simm.s32 $0x0;
	s20 =	sshll.u32 s5, $0x1;
	s5 =	sadd.s32 s21, s3  }
0x9d: {  	[timem:s7], [sflag:s22] =	dma.local [hbm:s5], s20  }
0x9e: {  	_ =	swait.ge [sflag:s22], s20  }
0x9f: {  	s4 =	ssub.s32 $0x0, s20;
	[sflag:s22] =	ssyncset.done $0x0  }
0xa0: {  	[sflag:s22] =	ssyncadd.s32 s4;
	_ =	sdelay $0x1  }
0xa1: {  	s23 =	simm.s32 $0x1B8B  }
0xa2: {  	_ =	swait.ge [sflag:s23], $0x1  }
0xa3: {  	[sflag:s23] =	ssyncset.done $0x0  }
0xa4: {  	s25 =	simm.s32 $0x1B8E;
	s24 =	sld [smem:$0x3FFE];
	[sflag:s23] =	ssyncadd.s32 $0xFFFFFFFF  }
0xa5: {  	s26 =	simm.s32 $execute0_lowered;
	[smem:$0x3FD2] =	sst s25  }
0xa6: {  	s5 =	sshll.u32 s26, $0x1;
	_ =	strace $0x80000046;
	[dreg:$0x1] =	wrdreg $0xFFFFFFFF  }
0xa7: {  	s28 =	simm.s32 $_size_execute0_lowered;
	s3 =	sadd.s32 s3, s5;
	[dreg:$0x0] =	wrdreg $0x0  }
0xa8: {  	s5 =	sshll.u32 s28, $0x1;
	[dreg:$0x2] =	wrdreg s3  }
0xa9: {  	[dreg:$0x3] =	wrdreg s5  }
0xaa: {  	[dreg:$0x4] =	wrdreg $0xC0  }
0xab: {  	_ =	task [dreg:s7], $0x5FFFF  }
0xac: {  	[dreg:$0x1] =	wrdreg $0xFFFFFFFF  }
0xad: {  	[dreg:$0x0] =	wrdreg $0x60  }
0xae: {  	[dreg:$0x2] =	wrdreg s2  }
0xaf: {  	[dreg:$0x3] =	wrdreg s24  }
0xb0: {  	[dreg:$0x4] =	wrdreg $0x9  }
0xb1: {  	_ =	task.clear_ibuf [dreg:s7], $0x5FFFF;
	_ =	strace $0x90000046  }
0xb2: {  	s29 =	simm.s32 $0x9;
	_ =	strace $0x80000048  }
0xb3: {  	_ =	swait.ge [sflag:s29], $0x1  }
0xb4: {  	[sflag:s29] =	ssyncadd.s32 $0xFFFFFFFF  }
0xb5: {  	_ =	strace $0x90000048  }
0xb6: {  	_ =	sfence  }
0xb7: {  	s30 =	sld [smem:$0x0];
	_ =	sdelay $0x2  }
0xb8: {  	s31 =	sshll.u32 s1, $0xD;
	s1 =	sshrl.u32 s1, $0x2  }
0xb9: {  	s3 =	sand.u32 $0x4000, s31;
	s1 =	sadd.s32 s1, s30  }
0xba: {  	s0 =	sor.u32 s3, s0;
	s1 =	sshll.u32 s1, $0x11  }
0xbb: {  	s0 =	sor.u32 s1, s0  }
0xbc: {  	s0 =	sadd.s32 $0x8F2B, s0  }
0xbd: {  	[sflag:s0] =	ssyncadd.remote.s32 $0x1  }
0xbe: {  	_ =	sfence.sel $0xFFFF  }
0xbf: {  	[dreg:$0x0] =	wrdreg $0xFFFFFFFF;
	(pc) =	sbr.abs _section_cstart, $3  }
0xc0: {  	[dreg:$0x1] =	wrdreg $0xFFFFFFFF  }
0xc1: {  	_ =	task.clear_ibuf [dreg:s7], $0x2FFFF;
	_ =	strace $0x9FFFFFFF  }
0xc2: {  	(tm) =	ssettm $0x7FFFFFFF  }
0xc3: {  	_ =	shalt  }
tec
execute0_lowered:
.L_overlay_start_1:
0x0: {  	(tag) =	ssettag $0x1  }
0x1: {  	s0 =	srdreg.scid;
	s1 =	stileid.u32  }
0x2: {  	s2 =	rddreg [dreg:$0x0];
	s0 =	sand.u32 $0x1, s0;
	s1 =	sshll.u32 s1, $0x1  }
0x3: {  	s4 =	rddreg [dreg:$0x1];
	s1 =	sor.u32 s0, s1  }
0x4: {  	s3 =	simm.s32 $0x0;
	s21 =	simm.s32 $0x400;
	s5 =	sshll.u32 s1, $0x7  }
0x5: {  	s13 =	simm.s32 $0x1;
	s1 =	sshll.u32 s1, $0xF;
	s5 =	sadd.s32 s5, s4  }
0x6: {  	[smem:$0x7FF] =	sst s3;
	s1 =	sadd.s32 s1, s4;
	s22 =	sadd.s32 $0x800, s5  }
0x7: {  	_ =	strace $0x80000047;
	s23 =	sadd.s32 $0x1800, s1;
	[dreg:$0x3] =	wrdreg s22  }
0x8: {  	s14 =	simm.s32 $0x2;
	s24 =	sadd.s32 $0x2800, s1;
	[dreg:$0x4] =	wrdreg s23  }
0x9: {  	s15 =	simm.s32 $0x3;
	s25 =	sadd.s32 $0x3800, s1;
	[dreg:$0x5] =	wrdreg s24  }
0xa: {  	s16 =	simm.s32 $0x4;
	s26 =	sadd.s32 $0x4800, s1;
	[dreg:$0x6] =	wrdreg s25  }
0xb: {  	s0 =	ssub.s32 $0x2, s0;
	s28 =	sadd.s32 $0x5800, s1;
	[dreg:$0x7] =	wrdreg s26  }
0xc: {  	s29 =	sshrl.u32 s0, $0x1;
	s30 =	sadd.s32 $0x6800, s1;
	[dreg:$0x8] =	wrdreg s28  }
0xd: {  	v2 =	vlaneseq.u32;
	s0 =	ssub.s32 s0, s29;
	s31 =	sadd.s32 $0x7800, s1;
	[dreg:$0x9] =	wrdreg s30  }
0xe: {  	vm0 =	vmmov $0xffff;
	v1 =	vshrl.u32 v2, $0x3;
	s4 =	sadd.s32 $0x100, s2;
	s1 =	sadd.s32 $0x8800, s1;
	[dreg:$0xa] =	wrdreg s31  }
0xf: {  	v0 =	vand.u32 $0x7, v2;
	v2 =	vor.u32 $0x8, v2;
	v1 =	vmul.u32 $0x8, v1;
	s5 =	smax.u32 s0, $0x1;
	[dreg:$0xb] =	wrdreg s1;
	s23 =	simm.s32 $0x8400  }
.LBB2_1:
0x10: {  	s17 =	rddreg [dreg:$0x3];
	s22 =	simm.s32 $0x5  }
0x11: {  	[tilespmem:s3], [sflag:$0x5] =	stream.linear.gather [hbm4b:s17+s3], $0x400, $0x38;
	[tilespmem:$0x10400] =	vst v63  }
0x12: {  	_ =	swait.ge [sflag:s22], $0x400  }
0x13: {  	[sflag:s22] =	ssyncset.done $0x0  }
0x14: {  	[sflag:s22] =	ssyncadd.s32 $0xFFFFFC00  }
0x15: {  	v3 =	vld [tilespmem:$0x0];
	_ =	sdelay $0x4  }
0x16: {  	v4 =	vshll.u32 v3, $0x2  }
0x17: {  	v3 =	vand.u32 $0x7, v3;
	v4 =	vand.u32 $0xFFFFFFE0, v4  }
0x18: {  	v3 =	vor.u32 v3, v4  }
0x19: {  	v4 =	vperm.xlane v3, v0;
	_ =	sdelay $0x1  }
0x1a: {  	v4 =	vadd.s32 v1, v4;
	_ =	sdelay $0x1  }
0x1b: {  	v3 =	vperm.xlane v3, v2;
	_ =	sdelay $0x1  }
0x1c: {  	v3 =	vadd.s32 v1, v3  }
0x1d: {  	[tilespmem:s21], [sflag:$0x1] =	stream.indirect_vreg.gather [hbm4b:s2+s3], $0x80, v4, vm0, $0xb8;
	[tilespmem:$0x10400] =	vst v63  }
0x1e: {  	s0 =	simm.s32 $0xC00  }
0x1f: {  	[tilespmem:s0], [sflag:$0x1] =	stream.indirect_vreg.gather [hbm4b:s4+s3], $0x80, v4, vm0, $0xb8;
	[tilespmem:$0x10400] =	vst v63  }
0x20: {  	s24 =	simm.s32 $0x1400  }
0x21: {  	[tilespmem:s24], [sflag:$0x1] =	stream.indirect_vreg.gather [hbm4b:s2+s3], $0x80, v3, vm0, $0xb8;
	[tilespmem:$0x10400] =	vst v63  }
0x22: {  	s25 =	simm.s32 $0x1C00  }
0x23: {  	[tilespmem:s25], [sflag:$0x1] =	stream.indirect_vreg.gather [hbm4b:s4+s3], $0x80, v3, vm0, $0xb8;
	[tilespmem:$0x10400] =	vst v63  }
0x24: {  	v3 =	vld [tilespmem:$0x10];
	_ =	sdelay $0x4  }
0x25: {  	v33 =	vshll.u32 v3, $0x2  }
0x26: {  	v3 =	vand.u32 $0x7, v3;
	v4 =	vand.u32 $0xFFFFFFE0, v33  }
0x27: {  	v3 =	vor.u32 v3, v4  }
0x28: {  	v4 =	vperm.xlane v3, v0;
	_ =	sdelay $0x1  }
0x29: {  	v4 =	vadd.s32 v1, v4;
	_ =	sdelay $0x1  }
0x2a: {  	v3 =	vperm.xlane v3, v2;
	_ =	sdelay $0x1  }
0x2b: {  	s26 =	simm.s32 $0x2400;
	v3 =	vadd.s32 v1, v3  }
0x2c: {  	[tilespmem:s26], [sflag:$0x1] =	stream.indirect_vreg.gather [hbm4b:s2+s3], $0x80, v4, vm0, $0xb8;
	[tilespmem:$0x10400] =	vst v63  }
0x2d: {  	s28 =	simm.s32 $0x2C00  }
0x2e: {  	[tilespmem:s28], [sflag:$0x1] =	stream.indirect_vreg.gather [hbm4b:s4+s3], $0x80, v4, vm0, $0xb8;
	[tilespmem:$0x10400] =	vst v63  }
0x2f: {  	s29 =	simm.s32 $0x3400  }
0x30: {  	[tilespmem:s29], [sflag:$0x1] =	stream.indirect_vreg.gather [hbm4b:s2+s3], $0x80, v3, vm0, $0xb8;
	[tilespmem:$0x10400] =	vst v63  }
0x31: {  	s30 =	simm.s32 $0x3C00  }
0x32: {  	[tilespmem:s30], [sflag:$0x1] =	stream.indirect_vreg.gather [hbm4b:s4+s3], $0x80, v3, vm0, $0xb8;
	[tilespmem:$0x10400] =	vst v63  }
0x33: {  	v3 =	vld [tilespmem:$0x20];
	_ =	sdelay $0x4  }
0x34: {  	v34 =	vshll.u32 v3, $0x2  }
0x35: {  	v3 =	vand.u32 $0x7, v3;
	v4 =	vand.u32 $0xFFFFFFE0, v34  }
0x36: {  	v3 =	vor.u32 v3, v4  }
0x37: {  	v4 =	vperm.xlane v3, v0;
	_ =	sdelay $0x1  }
0x38: {  	v4 =	vadd.s32 v1, v4;
	_ =	sdelay $0x1  }
0x39: {  	v3 =	vperm.xlane v3, v2;
	_ =	sdelay $0x1  }
0x3a: {  	s31 =	simm.s32 $0x4400;
	v3 =	vadd.s32 v1, v3  }
0x3b: {  	[tilespmem:s31], [sflag:$0x1] =	stream.indirect_vreg.gather [hbm4b:s2+s3], $0x80, v4, vm0, $0xb8;
	[tilespmem:$0x10400] =	vst v63  }
0x3c: {  	s1 =	simm.s32 $0x4C00  }
0x3d: {  	[tilespmem:s1], [sflag:$0x1] =	stream.indirect_vreg.gather [hbm4b:s4+s3], $0x80, v4, vm0, $0xb8;
	[tilespmem:$0x10400] =	vst v63  }
0x3e: {  	s6 =	simm.s32 $0x5400  }
0x3f: {  	[tilespmem:s6], [sflag:$0x1] =	stream.indirect_vreg.gather [hbm4b:s2+s3], $0x80, v3, vm0, $0xb8;
	[tilespmem:$0x10400] =	vst v63  }
0x40: {  	s7 =	simm.s32 $0x5C00  }
0x41: {  	[tilespmem:s7], [sflag:$0x1] =	stream.indirect_vreg.gather [hbm4b:s4+s3], $0x80, v3, vm0, $0xb8;
	[tilespmem:$0x10400] =	vst v63  }
0x42: {  	v3 =	vld [tilespmem:$0x30];
	_ =	sdelay $0x4  }
0x43: {  	v35 =	vshll.u32 v3, $0x2  }
0x44: {  	v3 =	vand.u32 $0x7, v3;
	v4 =	vand.u32 $0xFFFFFFE0, v35  }
0x45: {  	v3 =	vor.u32 v3, v4  }
0x46: {  	v4 =	vperm.xlane v3, v0;
	_ =	sdelay $0x1  }
0x47: {  	v4 =	vadd.s32 v1, v4;
	_ =	sdelay $0x1  }
0x48: {  	v3 =	vperm.xlane v3, v2;
	_ =	sdelay $0x1  }
0x49: {  	s8 =	simm.s32 $0x6400;
	v3 =	vadd.s32 v1, v3  }
0x4a: {  	[tilespmem:s8], [sflag:$0x1] =	stream.indirect_vreg.gather [hbm4b:s2+s3], $0x80, v4, vm0, $0xb8;
	[tilespmem:$0x10400] =	vst v63  }
0x4b: {  	s10 =	simm.s32 $0x6C00  }
0x4c: {  	[tilespmem:s10], [sflag:$0x1] =	stream.indirect_vreg.gather [hbm4b:s4+s3], $0x80, v4, vm0, $0xb8;
	[tilespmem:$0x10400] =	vst v63  }
0x4d: {  	s11 =	simm.s32 $0x7400  }
0x4e: {  	[tilespmem:s11], [sflag:$0x1] =	stream.indirect_vreg.gather [hbm4b:s2+s3], $0x80, v3, vm0, $0xb8;
	[tilespmem:$0x10400] =	vst v63  }
0x4f: {  	s17 =	simm.s32 $0x7C00  }
0x50: {  	[tilespmem:s17], [sflag:$0x1] =	stream.indirect_vreg.gather [hbm4b:s4+s3], $0x80, v3, vm0, $0xb8;
	[tilespmem:$0x10400] =	vst v63  }
0x51: {  	v3 =	vld [tilespmem:$0x80];
	_ =	sdelay $0x4  }
0x52: {  	v36 =	vshll.u32 v3, $0x2  }
0x53: {  	v3 =	vand.u32 $0x7, v3;
	v4 =	vand.u32 $0xFFFFFFE0, v36  }
0x54: {  	v3 =	vor.u32 v3, v4  }
0x55: {  	v4 =	vperm.xlane v3, v0;
	_ =	sdelay $0x1  }
0x56: {  	v4 =	vadd.s32 v1, v4;
	_ =	sdelay $0x1  }
0x57: {  	v3 =	vperm.xlane v3, v2;
	_ =	sdelay $0x1  }
0x58: {  	v3 =	vadd.s32 v1, v3  }
0x59: {  	[tilespmem:s23], [sflag:$0x2] =	stream.indirect_vreg.gather [hbm4b:s2+s3], $0x80, v4, vm0, $0xb8;
	[tilespmem:$0x10400] =	vst v63  }
0x5a: {  	s20 =	simm.s32 $0x8C00  }
0x5b: {  	[tilespmem:s20], [sflag:$0x2] =	stream.indirect_vreg.gather [hbm4b:s4+s3], $0x80, v4, vm0, $0xb8;
	[tilespmem:$0x10400] =	vst v63  }
0x5c: {  	s22 =	simm.s32 $0x9400  }
0x5d: {  	[tilespmem:s22], [sflag:$0x2] =	stream.indirect_vreg.gather [hbm4b:s2+s3], $0x80, v3, vm0, $0xb8;
	[tilespmem:$0x10400] =	vst v63  }
0x5e: {  	s24 =	simm.s32 $0x9C00  }
0x5f: {  	[tilespmem:s24], [sflag:$0x2] =	stream.indirect_vreg.gather [hbm4b:s4+s3], $0x80, v3, vm0, $0xb8;
	[tilespmem:$0x10400] =	vst v63  }
0x60: {  	v3 =	vld [tilespmem:$0x90];
	_ =	sdelay $0x4  }
0x61: {  	v37 =	vshll.u32 v3, $0x2  }
0x62: {  	v3 =	vand.u32 $0x7, v3;
	v4 =	vand.u32 $0xFFFFFFE0, v37  }
0x63: {  	v3 =	vor.u32 v3, v4  }
0x64: {  	v4 =	vperm.xlane v3, v0;
	_ =	sdelay $0x1  }
0x65: {  	v4 =	vadd.s32 v1, v4;
	_ =	sdelay $0x1  }
0x66: {  	v3 =	vperm.xlane v3, v2;
	_ =	sdelay $0x1  }
0x67: {  	s25 =	simm.s32 $0xA400;
	v3 =	vadd.s32 v1, v3  }
0x68: {  	[tilespmem:s25], [sflag:$0x2] =	stream.indirect_vreg.gather [hbm4b:s2+s3], $0x80, v4, vm0, $0xb8;
	[tilespmem:$0x10400] =	vst v63  }
0x69: {  	s26 =	simm.s32 $0xAC00  }
0x6a: {  	[tilespmem:s26], [sflag:$0x2] =	stream.indirect_vreg.gather [hbm4b:s4+s3], $0x80, v4, vm0, $0xb8;
	[tilespmem:$0x10400] =	vst v63  }
0x6b: {  	s28 =	simm.s32 $0xB400  }
0x6c: {  	[tilespmem:s28], [sflag:$0x2] =	stream.indirect_vreg.gather [hbm4b:s2+s3], $0x80, v3, vm0, $0xb8;
	[tilespmem:$0x10400] =	vst v63  }
0x6d: {  	s29 =	simm.s32 $0xBC00  }
0x6e: {  	[tilespmem:s29], [sflag:$0x2] =	stream.indirect_vreg.gather [hbm4b:s4+s3], $0x80, v3, vm0, $0xb8;
	[tilespmem:$0x10400] =	vst v63  }
0x6f: {  	v3 =	vld [tilespmem:$0xA0];
	_ =	sdelay $0x4  }
0x70: {  	v38 =	vshll.u32 v3, $0x2  }
0x71: {  	v3 =	vand.u32 $0x7, v3;
	v4 =	vand.u32 $0xFFFFFFE0, v38  }
0x72: {  	v3 =	vor.u32 v3, v4  }
0x73: {  	v4 =	vperm.xlane v3, v0;
	_ =	sdelay $0x1  }
0x74: {  	v4 =	vadd.s32 v1, v4;
	_ =	sdelay $0x1  }
0x75: {  	v3 =	vperm.xlane v3, v2;
	_ =	sdelay $0x1  }
0x76: {  	s30 =	simm.s32 $0xC400;
	v3 =	vadd.s32 v1, v3  }
0x77: {  	[tilespmem:s30], [sflag:$0x2] =	stream.indirect_vreg.gather [hbm4b:s2+s3], $0x80, v4, vm0, $0xb8;
	[tilespmem:$0x10400] =	vst v63  }
0x78: {  	s0 =	simm.s32 $0xCC00  }
0x79: {  	[tilespmem:s0], [sflag:$0x2] =	stream.indirect_vreg.gather [hbm4b:s4+s3], $0x80, v4, vm0, $0xb8;
	[tilespmem:$0x10400] =	vst v63  }
0x7a: {  	s7 =	simm.s32 $0xD400  }
0x7b: {  	[tilespmem:s7], [sflag:$0x2] =	stream.indirect_vreg.gather [hbm4b:s2+s3], $0x80, v3, vm0, $0xb8;
	[tilespmem:$0x10400] =	vst v63  }
0x7c: {  	s8 =	simm.s32 $0xDC00  }
0x7d: {  	[tilespmem:s8], [sflag:$0x2] =	stream.indirect_vreg.gather [hbm4b:s4+s3], $0x80, v3, vm0, $0xb8;
	[tilespmem:$0x10400] =	vst v63  }
0x7e: {  	v3 =	vld [tilespmem:$0xB0];
	_ =	sdelay $0x4  }
0x7f: {  	v39 =	vshll.u32 v3, $0x2  }
0x80: {  	v3 =	vand.u32 $0x7, v3;
	v4 =	vand.u32 $0xFFFFFFE0, v39  }
0x81: {  	v3 =	vor.u32 v3, v4  }
0x82: {  	v4 =	vperm.xlane v3, v0;
	_ =	sdelay $0x1  }
0x83: {  	v4 =	vadd.s32 v1, v4;
	_ =	sdelay $0x1  }
0x84: {  	v3 =	vperm.xlane v3, v2;
	_ =	sdelay $0x1  }
0x85: {  	s10 =	simm.s32 $0xE400;
	v3 =	vadd.s32 v1, v3  }
0x86: {  	[tilespmem:s10], [sflag:$0x2] =	stream.indirect_vreg.gather [hbm4b:s2+s3], $0x80, v4, vm0, $0xb8;
	[tilespmem:$0x10400] =	vst v63  }
0x87: {  	s11 =	simm.s32 $0xEC00  }
0x88: {  	[tilespmem:s11], [sflag:$0x2] =	stream.indirect_vreg.gather [hbm4b:s4+s3], $0x80, v4, vm0, $0xb8;
	[tilespmem:$0x10400] =	vst v63  }
0x89: {  	s20 =	simm.s32 $0xF400  }
0x8a: {  	[tilespmem:s20], [sflag:$0x2] =	stream.indirect_vreg.gather [hbm4b:s2+s3], $0x80, v3, vm0, $0xb8;
	[tilespmem:$0x10400] =	vst v63  }
0x8b: {  	s25 =	simm.s32 $0xFC00  }
0x8c: {  	[tilespmem:s25], [sflag:$0x2] =	stream.indirect_vreg.gather [hbm4b:s4+s3], $0x80, v3, vm0, $0xb8;
	[tilespmem:$0x10400] =	vst v63  }
0x8d: {  	_ =	swait.ge [sflag:s13], $0x8000  }
0x8e: {  	[sflag:s13] =	ssyncset.done $0x0  }
0x8f: {  	s28 =	rddreg [dreg:$0x4];
	[sflag:s13] =	ssyncadd.s32 $0xFFFF8000  }
0x90: {  	[hbm4b:s28+s3] =	stream.linear.scatter [tilespmem:s21], [sflag:$0x3], $0x8000, $0x38;
	[tilespmem:$0x10400] =	vst v63  }
0x91: {  	_ =	swait.ge [sflag:s14], $0x8000  }
0x92: {  	[sflag:s14] =	ssyncset.done $0x0  }
0x93: {  	[sflag:s14] =	ssyncadd.s32 $0xFFFF8000  }
0x94: {  	_ =	swait.ge [sflag:s15], $0x8000  }
0x95: {  	[sflag:s15] =	ssyncset.done $0x0  }
0x96: {  	[sflag:s15] =	ssyncadd.s32 $0xFFFF8000  }
0x97: {  	v3 =	vld [tilespmem:$0x100];
	_ =	sdelay $0x4  }
0x98: {  	v40 =	vshll.u32 v3, $0x2  }
0x99: {  	v3 =	vand.u32 $0x7, v3;
	v4 =	vand.u32 $0xFFFFFFE0, v40  }
0x9a: {  	v3 =	vor.u32 v3, v4  }
0x9b: {  	v4 =	vperm.xlane v3, v0;
	_ =	sdelay $0x1  }
0x9c: {  	v4 =	vadd.s32 v1, v4;
	_ =	sdelay $0x1  }
0x9d: {  	v3 =	vperm.xlane v3, v2;
	_ =	sdelay $0x1  }
0x9e: {  	v3 =	vadd.s32 v1, v3  }
0x9f: {  	[tilespmem:s21], [sflag:$0x1] =	stream.indirect_vreg.gather [hbm4b:s2+s3], $0x80, v4, vm0, $0xb8;
	[tilespmem:$0x10400] =	vst v63  }
0xa0: {  	s7 =	simm.s32 $0xC00  }
0xa1: {  	[tilespmem:s7], [sflag:$0x1] =	stream.indirect_vreg.gather [hbm4b:s4+s3], $0x80, v4, vm0, $0xb8;
	[tilespmem:$0x10400] =	vst v63  }
0xa2: {  	s8 =	simm.s32 $0x1400  }
0xa3: {  	[tilespmem:s8], [sflag:$0x1] =	stream.indirect_vreg.gather [hbm4b:s2+s3], $0x80, v3, vm0, $0xb8;
	[tilespmem:$0x10400] =	vst v63  }
0xa4: {  	s9 =	simm.s32 $0x1C00  }
0xa5: {  	[tilespmem:s9], [sflag:$0x1] =	stream.indirect_vreg.gather [hbm4b:s4+s3], $0x80, v3, vm0, $0xb8;
	[tilespmem:$0x10400] =	vst v63  }
0xa6: {  	v3 =	vld [tilespmem:$0x110];
	_ =	sdelay $0x4  }
0xa7: {  	v41 =	vshll.u32 v3, $0x2  }
0xa8: {  	v3 =	vand.u32 $0x7, v3;
	v4 =	vand.u32 $0xFFFFFFE0, v41  }
0xa9: {  	v3 =	vor.u32 v3, v4  }
0xaa: {  	v4 =	vperm.xlane v3, v0;
	_ =	sdelay $0x1  }
0xab: {  	v4 =	vadd.s32 v1, v4;
	_ =	sdelay $0x1  }
0xac: {  	v3 =	vperm.xlane v3, v2;
	_ =	sdelay $0x1  }
0xad: {  	s9 =	simm.s32 $0x2400;
	v3 =	vadd.s32 v1, v3  }
0xae: {  	[tilespmem:s9], [sflag:$0x1] =	stream.indirect_vreg.gather [hbm4b:s2+s3], $0x80, v4, vm0, $0xb8;
	[tilespmem:$0x10400] =	vst v63  }
0xaf: {  	s10 =	simm.s32 $0x2C00  }
0xb0: {  	[tilespmem:s10], [sflag:$0x1] =	stream.indirect_vreg.gather [hbm4b:s4+s3], $0x80, v4, vm0, $0xb8;
	[tilespmem:$0x10400] =	vst v63  }
0xb1: {  	s11 =	simm.s32 $0x3400  }
0xb2: {  	[tilespmem:s11], [sflag:$0x1] =	stream.indirect_vreg.gather [hbm4b:s2+s3], $0x80, v3, vm0, $0xb8;
	[tilespmem:$0x10400] =	vst v63  }
0xb3: {  	s19 =	simm.s32 $0x3C00  }
0xb4: {  	[tilespmem:s19], [sflag:$0x1] =	stream.indirect_vreg.gather [hbm4b:s4+s3], $0x80, v3, vm0, $0xb8;
	[tilespmem:$0x10400] =	vst v63  }
0xb5: {  	v3 =	vld [tilespmem:$0x120];
	_ =	sdelay $0x4  }
0xb6: {  	v42 =	vshll.u32 v3, $0x2  }
0xb7: {  	v3 =	vand.u32 $0x7, v3;
	v4 =	vand.u32 $0xFFFFFFE0, v42  }
0xb8: {  	v3 =	vor.u32 v3, v4  }
0xb9: {  	v4 =	vperm.xlane v3, v0;
	_ =	sdelay $0x1  }
0xba: {  	v4 =	vadd.s32 v1, v4;
	_ =	sdelay $0x1  }
0xbb: {  	v3 =	vperm.xlane v3, v2;
	_ =	sdelay $0x1  }
0xbc: {  	s12 =	simm.s32 $0x4400;
	v3 =	vadd.s32 v1, v3  }
0xbd: {  	[tilespmem:s12], [sflag:$0x1] =	stream.indirect_vreg.gather [hbm4b:s2+s3], $0x80, v4, vm0, $0xb8;
	[tilespmem:$0x10400] =	vst v63  }
0xbe: {  	s18 =	simm.s32 $0x4C00  }
0xbf: {  	[tilespmem:s18], [sflag:$0x1] =	stream.indirect_vreg.gather [hbm4b:s4+s3], $0x80, v4, vm0, $0xb8;
	[tilespmem:$0x10400] =	vst v63  }
0xc0: {  	s25 =	simm.s32 $0x5400  }
0xc1: {  	[tilespmem:s25], [sflag:$0x1] =	stream.indirect_vreg.gather [hbm4b:s2+s3], $0x80, v3, vm0, $0xb8;
	[tilespmem:$0x10400] =	vst v63  }
0xc2: {  	s20 =	simm.s32 $0x5C00  }
0xc3: {  	[tilespmem:s20], [sflag:$0x1] =	stream.indirect_vreg.gather [hbm4b:s4+s3], $0x80, v3, vm0, $0xb8;
	[tilespmem:$0x10400] =	vst v63  }
0xc4: {  	v3 =	vld [tilespmem:$0x130];
	_ =	sdelay $0x4  }
0xc5: {  	v43 =	vshll.u32 v3, $0x2  }
0xc6: {  	v3 =	vand.u32 $0x7, v3;
	v4 =	vand.u32 $0xFFFFFFE0, v43  }
0xc7: {  	v3 =	vor.u32 v3, v4  }
0xc8: {  	v4 =	vperm.xlane v3, v0;
	_ =	sdelay $0x1  }
0xc9: {  	v4 =	vadd.s32 v1, v4;
	_ =	sdelay $0x1  }
0xca: {  	v3 =	vperm.xlane v3, v2;
	_ =	sdelay $0x1  }
0xcb: {  	s19 =	simm.s32 $0x6400;
	v3 =	vadd.s32 v1, v3  }
0xcc: {  	[tilespmem:s19], [sflag:$0x1] =	stream.indirect_vreg.gather [hbm4b:s2+s3], $0x80, v4, vm0, $0xb8;
	[tilespmem:$0x10400] =	vst v63  }
0xcd: {  	s12 =	simm.s32 $0x6C00  }
0xce: {  	[tilespmem:s12], [sflag:$0x1] =	stream.indirect_vreg.gather [hbm4b:s4+s3], $0x80, v4, vm0, $0xb8;
	[tilespmem:$0x10400] =	vst v63  }
0xcf: {  	s18 =	simm.s32 $0x7400  }
0xd0: {  	[tilespmem:s18], [sflag:$0x1] =	stream.indirect_vreg.gather [hbm4b:s2+s3], $0x80, v3, vm0, $0xb8;
	[tilespmem:$0x10400] =	vst v63  }
0xd1: {  	s1 =	simm.s32 $0x7C00  }
0xd2: {  	[tilespmem:s1], [sflag:$0x1] =	stream.indirect_vreg.gather [hbm4b:s4+s3], $0x80, v3, vm0, $0xb8;
	[tilespmem:$0x10400] =	vst v63  }
0xd3: {  	s0 =	rddreg [dreg:$0x5]  }
0xd4: {  	[hbm4b:s0+s3] =	stream.linear.scatter [tilespmem:s23], [sflag:$0x4], $0x8000, $0x38;
	[tilespmem:$0x10400] =	vst v63  }
0xd5: {  	_ =	swait.ge [sflag:s13], $0x8000  }
0xd6: {  	[sflag:s13] =	ssyncset.done $0x0  }
0xd7: {  	[sflag:s13] =	ssyncadd.s32 $0xFFFF8000  }
0xd8: {  	_ =	swait.ge [sflag:s16], $0x8000  }
0xd9: {  	[sflag:s16] =	ssyncset.done $0x0  }
0xda: {  	[sflag:s16] =	ssyncadd.s32 $0xFFFF8000  }
0xdb: {  	v3 =	vld [tilespmem:$0x180];
	_ =	sdelay $0x4  }
0xdc: {  	v44 =	vshll.u32 v3, $0x2  }
0xdd: {  	v3 =	vand.u32 $0x7, v3;
	v4 =	vand.u32 $0xFFFFFFE0, v44  }
0xde: {  	v3 =	vor.u32 v3, v4  }
0xdf: {  	v4 =	vperm.xlane v3, v0;
	_ =	sdelay $0x1  }
0xe0: {  	v4 =	vadd.s32 v1, v4;
	_ =	sdelay $0x1  }
0xe1: {  	v3 =	vperm.xlane v3, v2;
	_ =	sdelay $0x1  }
0xe2: {  	v3 =	vadd.s32 v1, v3  }
0xe3: {  	[tilespmem:s23], [sflag:$0x2] =	stream.indirect_vreg.gather [hbm4b:s2+s3], $0x80, v4, vm0, $0xb8;
	[tilespmem:$0x10400] =	vst v63  }
0xe4: {  	s0 =	simm.s32 $0x8C00  }
0xe5: {  	[tilespmem:s0], [sflag:$0x2] =	stream.indirect_vreg.gather [hbm4b:s4+s3], $0x80, v4, vm0, $0xb8;
	[tilespmem:$0x10400] =	vst v63  }
0xe6: {  	s1 =	simm.s32 $0x9400  }
0xe7: {  	[tilespmem:s1], [sflag:$0x2] =	stream.indirect_vreg.gather [hbm4b:s2+s3], $0x80, v3, vm0, $0xb8;
	[tilespmem:$0x10400] =	vst v63  }
0xe8: {  	s6 =	simm.s32 $0x9C00  }
0xe9: {  	[tilespmem:s6], [sflag:$0x2] =	stream.indirect_vreg.gather [hbm4b:s4+s3], $0x80, v3, vm0, $0xb8;
	[tilespmem:$0x10400] =	vst v63  }
0xea: {  	v3 =	vld [tilespmem:$0x190];
	_ =	sdelay $0x4  }
0xeb: {  	v45 =	vshll.u32 v3, $0x2  }
0xec: {  	v3 =	vand.u32 $0x7, v3;
	v4 =	vand.u32 $0xFFFFFFE0, v45  }
0xed: {  	v3 =	vor.u32 v3, v4  }
0xee: {  	v4 =	vperm.xlane v3, v0;
	_ =	sdelay $0x1  }
0xef: {  	v4 =	vadd.s32 v1, v4;
	_ =	sdelay $0x1  }
0xf0: {  	v3 =	vperm.xlane v3, v2;
	_ =	sdelay $0x1  }
0xf1: {  	s6 =	simm.s32 $0xA400;
	v3 =	vadd.s32 v1, v3  }
0xf2: {  	[tilespmem:s6], [sflag:$0x2] =	stream.indirect_vreg.gather [hbm4b:s2+s3], $0x80, v4, vm0, $0xb8;
	[tilespmem:$0x10400] =	vst v63  }
0xf3: {  	s31 =	simm.s32 $0xAC00  }
0xf4: {  	[tilespmem:s31], [sflag:$0x2] =	stream.indirect_vreg.gather [hbm4b:s4+s3], $0x80, v4, vm0, $0xb8;
	[tilespmem:$0x10400] =	vst v63  }
0xf5: {  	s22 =	simm.s32 $0xB400  }
0xf6: {  	[tilespmem:s22], [sflag:$0x2] =	stream.indirect_vreg.gather [hbm4b:s2+s3], $0x80, v3, vm0, $0xb8;
	[tilespmem:$0x10400] =	vst v63  }
0xf7: {  	s26 =	simm.s32 $0xBC00  }
0xf8: {  	[tilespmem:s26], [sflag:$0x2] =	stream.indirect_vreg.gather [hbm4b:s4+s3], $0x80, v3, vm0, $0xb8;
	[tilespmem:$0x10400] =	vst v63  }
0xf9: {  	v3 =	vld [tilespmem:$0x1A0];
	_ =	sdelay $0x4  }
0xfa: {  	v46 =	vshll.u32 v3, $0x2  }
0xfb: {  	v3 =	vand.u32 $0x7, v3;
	v4 =	vand.u32 $0xFFFFFFE0, v46  }
0xfc: {  	v3 =	vor.u32 v3, v4  }
0xfd: {  	v4 =	vperm.xlane v3, v0;
	_ =	sdelay $0x1  }
0xfe: {  	v4 =	vadd.s32 v1, v4;
	_ =	sdelay $0x1  }
0xff: {  	v3 =	vperm.xlane v3, v2;
	_ =	sdelay $0x1  }
0x100: {  	s24 =	simm.s32 $0xC400;
	v3 =	vadd.s32 v1, v3  }
0x101: {  	[tilespmem:s24], [sflag:$0x2] =	stream.indirect_vreg.gather [hbm4b:s2+s3], $0x80, v4, vm0, $0xb8;
	[tilespmem:$0x10400] =	vst v63  }
0x102: {  	s30 =	simm.s32 $0xCC00  }
0x103: {  	[tilespmem:s30], [sflag:$0x2] =	stream.indirect_vreg.gather [hbm4b:s4+s3], $0x80, v4, vm0, $0xb8;
	[tilespmem:$0x10400] =	vst v63  }
0x104: {  	s26 =	simm.s32 $0xD400  }
0x105: {  	[tilespmem:s26], [sflag:$0x2] =	stream.indirect_vreg.gather [hbm4b:s2+s3], $0x80, v3, vm0, $0xb8;
	[tilespmem:$0x10400] =	vst v63  }
0x106: {  	s29 =	simm.s32 $0xDC00  }
0x107: {  	[tilespmem:s29], [sflag:$0x2] =	stream.indirect_vreg.gather [hbm4b:s4+s3], $0x80, v3, vm0, $0xb8;
	[tilespmem:$0x10400] =	vst v63  }
0x108: {  	v3 =	vld [tilespmem:$0x1B0];
	_ =	sdelay $0x4  }
0x109: {  	v47 =	vshll.u32 v3, $0x2  }
0x10a: {  	v3 =	vand.u32 $0x7, v3;
	v4 =	vand.u32 $0xFFFFFFE0, v47  }
0x10b: {  	v3 =	vor.u32 v3, v4  }
0x10c: {  	v4 =	vperm.xlane v3, v0;
	_ =	sdelay $0x1  }
0x10d: {  	v4 =	vadd.s32 v1, v4;
	_ =	sdelay $0x1  }
0x10e: {  	v3 =	vperm.xlane v3, v2;
	_ =	sdelay $0x1  }
0x10f: {  	s29 =	simm.s32 $0xE400;
	v3 =	vadd.s32 v1, v3  }
0x110: {  	[tilespmem:s29], [sflag:$0x2] =	stream.indirect_vreg.gather [hbm4b:s2+s3], $0x80, v4, vm0, $0xb8;
	[tilespmem:$0x10400] =	vst v63  }
0x111: {  	s31 =	simm.s32 $0xEC00  }
0x112: {  	[tilespmem:s31], [sflag:$0x2] =	stream.indirect_vreg.gather [hbm4b:s4+s3], $0x80, v4, vm0, $0xb8;
	[tilespmem:$0x10400] =	vst v63  }
0x113: {  	s29 =	simm.s32 $0xF400  }
0x114: {  	[tilespmem:s29], [sflag:$0x2] =	stream.indirect_vreg.gather [hbm4b:s2+s3], $0x80, v3, vm0, $0xb8;
	[tilespmem:$0x10400] =	vst v63  }
0x115: {  	s29 =	simm.s32 $0xFC00  }
0x116: {  	[tilespmem:s29], [sflag:$0x2] =	stream.indirect_vreg.gather [hbm4b:s4+s3], $0x80, v3, vm0, $0xb8;
	[tilespmem:$0x10400] =	vst v63  }
0x117: {  	s17 =	rddreg [dreg:$0x6]  }
0x118: {  	[hbm4b:s17+s3] =	stream.linear.scatter [tilespmem:s21], [sflag:$0x3], $0x8000, $0x38;
	[tilespmem:$0x10400] =	vst v63  }
0x119: {  	_ =	swait.ge [sflag:s14], $0x8000  }
0x11a: {  	[sflag:s14] =	ssyncset.done $0x0  }
0x11b: {  	[sflag:s14] =	ssyncadd.s32 $0xFFFF8000  }
0x11c: {  	_ =	swait.ge [sflag:s15], $0x8000  }
0x11d: {  	[sflag:s15] =	ssyncset.done $0x0  }
0x11e: {  	[sflag:s15] =	ssyncadd.s32 $0xFFFF8000  }
0x11f: {  	v3 =	vld [tilespmem:$0x200];
	_ =	sdelay $0x4  }
0x120: {  	v48 =	vshll.u32 v3, $0x2  }
0x121: {  	v3 =	vand.u32 $0x7, v3;
	v4 =	vand.u32 $0xFFFFFFE0, v48  }
0x122: {  	v3 =	vor.u32 v3, v4  }
0x123: {  	v4 =	vperm.xlane v3, v0;
	_ =	sdelay $0x1  }
0x124: {  	v4 =	vadd.s32 v1, v4;
	_ =	sdelay $0x1  }
0x125: {  	v3 =	vperm.xlane v3, v2;
	_ =	sdelay $0x1  }
0x126: {  	v3 =	vadd.s32 v1, v3  }
0x127: {  	[tilespmem:s21], [sflag:$0x1] =	stream.indirect_vreg.gather [hbm4b:s2+s3], $0x80, v4, vm0, $0xb8;
	[tilespmem:$0x10400] =	vst v63  }
0x128: {  	_ = 	snop  }
0x129: {  	[tilespmem:s7], [sflag:$0x1] =	stream.indirect_vreg.gather [hbm4b:s4+s3], $0x80, v4, vm0, $0xb8;
	[tilespmem:$0x10400] =	vst v63  }
0x12a: {  	_ = 	snop  }
0x12b: {  	[tilespmem:s8], [sflag:$0x1] =	stream.indirect_vreg.gather [hbm4b:s2+s3], $0x80, v3, vm0, $0xb8;
	[tilespmem:$0x10400] =	vst v63  }
0x12c: {  	s17 =	simm.s32 $0x1C00  }
0x12d: {  	[tilespmem:s17], [sflag:$0x1] =	stream.indirect_vreg.gather [hbm4b:s4+s3], $0x80, v3, vm0, $0xb8;
	[tilespmem:$0x10400] =	vst v63  }
0x12e: {  	v3 =	vld [tilespmem:$0x210];
	_ =	sdelay $0x4  }
0x12f: {  	v49 =	vshll.u32 v3, $0x2  }
0x130: {  	v3 =	vand.u32 $0x7, v3;
	v4 =	vand.u32 $0xFFFFFFE0, v49  }
0x131: {  	v3 =	vor.u32 v3, v4  }
0x132: {  	v4 =	vperm.xlane v3, v0;
	_ =	sdelay $0x1  }
0x133: {  	v4 =	vadd.s32 v1, v4;
	_ =	sdelay $0x1  }
0x134: {  	v3 =	vperm.xlane v3, v2;
	_ =	sdelay $0x1  }
0x135: {  	v3 =	vadd.s32 v1, v3  }
0x136: {  	[tilespmem:s9], [sflag:$0x1] =	stream.indirect_vreg.gather [hbm4b:s2+s3], $0x80, v4, vm0, $0xb8;
	[tilespmem:$0x10400] =	vst v63  }
0x137: {  	_ = 	snop  }
0x138: {  	[tilespmem:s10], [sflag:$0x1] =	stream.indirect_vreg.gather [hbm4b:s4+s3], $0x80, v4, vm0, $0xb8;
	[tilespmem:$0x10400] =	vst v63  }
0x139: {  	_ = 	snop  }
0x13a: {  	[tilespmem:s11], [sflag:$0x1] =	stream.indirect_vreg.gather [hbm4b:s2+s3], $0x80, v3, vm0, $0xb8;
	[tilespmem:$0x10400] =	vst v63  }
0x13b: {  	s17 =	simm.s32 $0x3C00  }
0x13c: {  	[tilespmem:s17], [sflag:$0x1] =	stream.indirect_vreg.gather [hbm4b:s4+s3], $0x80, v3, vm0, $0xb8;
	[tilespmem:$0x10400] =	vst v63  }
0x13d: {  	v3 =	vld [tilespmem:$0x220];
	_ =	sdelay $0x4  }
0x13e: {  	v50 =	vshll.u32 v3, $0x2  }
0x13f: {  	v3 =	vand.u32 $0x7, v3;
	v4 =	vand.u32 $0xFFFFFFE0, v50  }
0x140: {  	v3 =	vor.u32 v3, v4  }
0x141: {  	v4 =	vperm.xlane v3, v0;
	_ =	sdelay $0x1  }
0x142: {  	v4 =	vadd.s32 v1, v4;
	_ =	sdelay $0x1  }
0x143: {  	v3 =	vperm.xlane v3, v2;
	_ =	sdelay $0x1  }
0x144: {  	s17 =	simm.s32 $0x4400;
	v3 =	vadd.s32 v1, v3  }
0x145: {  	[tilespmem:s17], [sflag:$0x1] =	stream.indirect_vreg.gather [hbm4b:s2+s3], $0x80, v4, vm0, $0xb8;
	[tilespmem:$0x10400] =	vst v63  }
0x146: {  	s17 =	simm.s32 $0x4C00  }
0x147: {  	[tilespmem:s17], [sflag:$0x1] =	stream.indirect_vreg.gather [hbm4b:s4+s3], $0x80, v4, vm0, $0xb8;
	[tilespmem:$0x10400] =	vst v63  }
0x148: {  	_ = 	snop  }
0x149: {  	[tilespmem:s25], [sflag:$0x1] =	stream.indirect_vreg.gather [hbm4b:s2+s3], $0x80, v3, vm0, $0xb8;
	[tilespmem:$0x10400] =	vst v63  }
0x14a: {  	_ = 	snop  }
0x14b: {  	[tilespmem:s20], [sflag:$0x1] =	stream.indirect_vreg.gather [hbm4b:s4+s3], $0x80, v3, vm0, $0xb8;
	[tilespmem:$0x10400] =	vst v63  }
0x14c: {  	v3 =	vld [tilespmem:$0x230];
	_ =	sdelay $0x4  }
0x14d: {  	v51 =	vshll.u32 v3, $0x2  }
0x14e: {  	v3 =	vand.u32 $0x7, v3;
	v4 =	vand.u32 $0xFFFFFFE0, v51  }
0x14f: {  	v3 =	vor.u32 v3, v4  }
0x150: {  	v4 =	vperm.xlane v3, v0;
	_ =	sdelay $0x1  }
0x151: {  	v4 =	vadd.s32 v1, v4;
	_ =	sdelay $0x1  }
0x152: {  	v3 =	vperm.xlane v3, v2;
	_ =	sdelay $0x1  }
0x153: {  	v3 =	vadd.s32 v1, v3  }
0x154: {  	[tilespmem:s19], [sflag:$0x1] =	stream.indirect_vreg.gather [hbm4b:s2+s3], $0x80, v4, vm0, $0xb8;
	[tilespmem:$0x10400] =	vst v63  }
0x155: {  	_ = 	snop  }
0x156: {  	[tilespmem:s12], [sflag:$0x1] =	stream.indirect_vreg.gather [hbm4b:s4+s3], $0x80, v4, vm0, $0xb8;
	[tilespmem:$0x10400] =	vst v63  }
0x157: {  	_ = 	snop  }
0x158: {  	[tilespmem:s18], [sflag:$0x1] =	stream.indirect_vreg.gather [hbm4b:s2+s3], $0x80, v3, vm0, $0xb8;
	[tilespmem:$0x10400] =	vst v63  }
0x159: {  	s7 =	simm.s32 $0x7C00  }
0x15a: {  	[tilespmem:s7], [sflag:$0x1] =	stream.indirect_vreg.gather [hbm4b:s4+s3], $0x80, v3, vm0, $0xb8;
	[tilespmem:$0x10400] =	vst v63  }
0x15b: {  	s17 =	rddreg [dreg:$0x7]  }
0x15c: {  	[hbm4b:s17+s3] =	stream.linear.scatter [tilespmem:s23], [sflag:$0x4], $0x8000, $0x38;
	[tilespmem:$0x10400] =	vst v63  }
0x15d: {  	_ =	swait.ge [sflag:s13], $0x8000  }
0x15e: {  	[sflag:s13] =	ssyncset.done $0x0  }
0x15f: {  	[sflag:s13] =	ssyncadd.s32 $0xFFFF8000  }
0x160: {  	_ =	swait.ge [sflag:s16], $0x8000  }
0x161: {  	[sflag:s16] =	ssyncset.done $0x0  }
0x162: {  	[sflag:s16] =	ssyncadd.s32 $0xFFFF8000  }
0x163: {  	v3 =	vld [tilespmem:$0x280];
	_ =	sdelay $0x4  }
0x164: {  	v52 =	vshll.u32 v3, $0x2  }
0x165: {  	v3 =	vand.u32 $0x7, v3;
	v4 =	vand.u32 $0xFFFFFFE0, v52  }
0x166: {  	v3 =	vor.u32 v3, v4  }
0x167: {  	v4 =	vperm.xlane v3, v0;
	_ =	sdelay $0x1  }
0x168: {  	v4 =	vadd.s32 v1, v4;
	_ =	sdelay $0x1  }
0x169: {  	v3 =	vperm.xlane v3, v2;
	_ =	sdelay $0x1  }
0x16a: {  	v3 =	vadd.s32 v1, v3  }
0x16b: {  	[tilespmem:s23], [sflag:$0x2] =	stream.indirect_vreg.gather [hbm4b:s2+s3], $0x80, v4, vm0, $0xb8;
	[tilespmem:$0x10400] =	vst v63  }
0x16c: {  	_ = 	snop  }
0x16d: {  	[tilespmem:s0], [sflag:$0x2] =	stream.indirect_vreg.gather [hbm4b:s4+s3], $0x80, v4, vm0, $0xb8;
	[tilespmem:$0x10400] =	vst v63  }
0x16e: {  	_ = 	snop  }
0x16f: {  	[tilespmem:s1], [sflag:$0x2] =	stream.indirect_vreg.gather [hbm4b:s2+s3], $0x80, v3, vm0, $0xb8;
	[tilespmem:$0x10400] =	vst v63  }
0x170: {  	s7 =	simm.s32 $0x9C00  }
0x171: {  	[tilespmem:s7], [sflag:$0x2] =	stream.indirect_vreg.gather [hbm4b:s4+s3], $0x80, v3, vm0, $0xb8;
	[tilespmem:$0x10400] =	vst v63  }
0x172: {  	v3 =	vld [tilespmem:$0x290];
	_ =	sdelay $0x4  }
0x173: {  	v53 =	vshll.u32 v3, $0x2  }
0x174: {  	v3 =	vand.u32 $0x7, v3;
	v4 =	vand.u32 $0xFFFFFFE0, v53  }
0x175: {  	v3 =	vor.u32 v3, v4  }
0x176: {  	v4 =	vperm.xlane v3, v0;
	_ =	sdelay $0x1  }
0x177: {  	v4 =	vadd.s32 v1, v4;
	_ =	sdelay $0x1  }
0x178: {  	v3 =	vperm.xlane v3, v2;
	_ =	sdelay $0x1  }
0x179: {  	v3 =	vadd.s32 v1, v3  }
0x17a: {  	[tilespmem:s6], [sflag:$0x2] =	stream.indirect_vreg.gather [hbm4b:s2+s3], $0x80, v4, vm0, $0xb8;
	[tilespmem:$0x10400] =	vst v63  }
0x17b: {  	s28 =	simm.s32 $0xAC00  }
0x17c: {  	[tilespmem:s28], [sflag:$0x2] =	stream.indirect_vreg.gather [hbm4b:s4+s3], $0x80, v4, vm0, $0xb8;
	[tilespmem:$0x10400] =	vst v63  }
0x17d: {  	s22 =	simm.s32 $0xB400  }
0x17e: {  	[tilespmem:s22], [sflag:$0x2] =	stream.indirect_vreg.gather [hbm4b:s2+s3], $0x80, v3, vm0, $0xb8;
	[tilespmem:$0x10400] =	vst v63  }
0x17f: {  	s7 =	simm.s32 $0xBC00  }
0x180: {  	[tilespmem:s7], [sflag:$0x2] =	stream.indirect_vreg.gather [hbm4b:s4+s3], $0x80, v3, vm0, $0xb8;
	[tilespmem:$0x10400] =	vst v63  }
0x181: {  	v3 =	vld [tilespmem:$0x2A0];
	_ =	sdelay $0x4  }
0x182: {  	v54 =	vshll.u32 v3, $0x2  }
0x183: {  	v3 =	vand.u32 $0x7, v3;
	v4 =	vand.u32 $0xFFFFFFE0, v54  }
0x184: {  	v3 =	vor.u32 v3, v4  }
0x185: {  	v4 =	vperm.xlane v3, v0;
	_ =	sdelay $0x1  }
0x186: {  	v4 =	vadd.s32 v1, v4;
	_ =	sdelay $0x1  }
0x187: {  	v3 =	vperm.xlane v3, v2;
	_ =	sdelay $0x1  }
0x188: {  	s24 =	simm.s32 $0xC400;
	v3 =	vadd.s32 v1, v3  }
0x189: {  	[tilespmem:s24], [sflag:$0x2] =	stream.indirect_vreg.gather [hbm4b:s2+s3], $0x80, v4, vm0, $0xb8;
	[tilespmem:$0x10400] =	vst v63  }
0x18a: {  	s30 =	simm.s32 $0xCC00  }
0x18b: {  	[tilespmem:s30], [sflag:$0x2] =	stream.indirect_vreg.gather [hbm4b:s4+s3], $0x80, v4, vm0, $0xb8;
	[tilespmem:$0x10400] =	vst v63  }
0x18c: {  	s26 =	simm.s32 $0xD400  }
0x18d: {  	[tilespmem:s26], [sflag:$0x2] =	stream.indirect_vreg.gather [hbm4b:s2+s3], $0x80, v3, vm0, $0xb8;
	[tilespmem:$0x10400] =	vst v63  }
0x18e: {  	s26 =	simm.s32 $0xDC00  }
0x18f: {  	[tilespmem:s26], [sflag:$0x2] =	stream.indirect_vreg.gather [hbm4b:s4+s3], $0x80, v3, vm0, $0xb8;
	[tilespmem:$0x10400] =	vst v63  }
0x190: {  	v3 =	vld [tilespmem:$0x2B0];
	_ =	sdelay $0x4  }
0x191: {  	v55 =	vshll.u32 v3, $0x2  }
0x192: {  	v3 =	vand.u32 $0x7, v3;
	v4 =	vand.u32 $0xFFFFFFE0, v55  }
0x193: {  	v3 =	vor.u32 v3, v4  }
0x194: {  	v4 =	vperm.xlane v3, v0;
	_ =	sdelay $0x1  }
0x195: {  	v4 =	vadd.s32 v1, v4;
	_ =	sdelay $0x1  }
0x196: {  	v3 =	vperm.xlane v3, v2;
	_ =	sdelay $0x1  }
0x197: {  	s7 =	simm.s32 $0xE400;
	v3 =	vadd.s32 v1, v3  }
0x198: {  	[tilespmem:s7], [sflag:$0x2] =	stream.indirect_vreg.gather [hbm4b:s2+s3], $0x80, v4, vm0, $0xb8;
	[tilespmem:$0x10400] =	vst v63  }
0x199: {  	s31 =	simm.s32 $0xEC00  }
0x19a: {  	[tilespmem:s31], [sflag:$0x2] =	stream.indirect_vreg.gather [hbm4b:s4+s3], $0x80, v4, vm0, $0xb8;
	[tilespmem:$0x10400] =	vst v63  }
0x19b: {  	s26 =	simm.s32 $0xF400  }
0x19c: {  	[tilespmem:s26], [sflag:$0x2] =	stream.indirect_vreg.gather [hbm4b:s2+s3], $0x80, v3, vm0, $0xb8;
	[tilespmem:$0x10400] =	vst v63  }
0x19d: {  	s29 =	simm.s32 $0xFC00  }
0x19e: {  	[tilespmem:s29], [sflag:$0x2] =	stream.indirect_vreg.gather [hbm4b:s4+s3], $0x80, v3, vm0, $0xb8;
	[tilespmem:$0x10400] =	vst v63  }
0x19f: {  	s7 =	rddreg [dreg:$0x8]  }
0x1a0: {  	[hbm4b:s7+s3] =	stream.linear.scatter [tilespmem:s21], [sflag:$0x3], $0x8000, $0x38;
	[tilespmem:$0x10400] =	vst v63  }
0x1a1: {  	_ =	swait.ge [sflag:s14], $0x8000  }
0x1a2: {  	[sflag:s14] =	ssyncset.done $0x0  }
0x1a3: {  	[sflag:s14] =	ssyncadd.s32 $0xFFFF8000  }
0x1a4: {  	_ =	swait.ge [sflag:s15], $0x8000  }
0x1a5: {  	[sflag:s15] =	ssyncset.done $0x0  }
0x1a6: {  	[sflag:s15] =	ssyncadd.s32 $0xFFFF8000  }
0x1a7: {  	v3 =	vld [tilespmem:$0x300];
	_ =	sdelay $0x4  }
0x1a8: {  	v56 =	vshll.u32 v3, $0x2  }
0x1a9: {  	v3 =	vand.u32 $0x7, v3;
	v4 =	vand.u32 $0xFFFFFFE0, v56  }
0x1aa: {  	v3 =	vor.u32 v3, v4  }
0x1ab: {  	v4 =	vperm.xlane v3, v0;
	_ =	sdelay $0x1  }
0x1ac: {  	v4 =	vadd.s32 v1, v4;
	_ =	sdelay $0x1  }
0x1ad: {  	v3 =	vperm.xlane v3, v2;
	_ =	sdelay $0x1  }
0x1ae: {  	v3 =	vadd.s32 v1, v3  }
0x1af: {  	[tilespmem:s21], [sflag:$0x1] =	stream.indirect_vreg.gather [hbm4b:s2+s3], $0x80, v4, vm0, $0xb8;
	[tilespmem:$0x10400] =	vst v63  }
0x1b0: {  	s29 =	simm.s32 $0xC00  }
0x1b1: {  	[tilespmem:s29], [sflag:$0x1] =	stream.indirect_vreg.gather [hbm4b:s4+s3], $0x80, v4, vm0, $0xb8;
	[tilespmem:$0x10400] =	vst v63  }
0x1b2: {  	s8 =	simm.s32 $0x1400  }
0x1b3: {  	[tilespmem:s8], [sflag:$0x1] =	stream.indirect_vreg.gather [hbm4b:s2+s3], $0x80, v3, vm0, $0xb8;
	[tilespmem:$0x10400] =	vst v63  }
0x1b4: {  	s8 =	simm.s32 $0x1C00  }
0x1b5: {  	[tilespmem:s8], [sflag:$0x1] =	stream.indirect_vreg.gather [hbm4b:s4+s3], $0x80, v3, vm0, $0xb8;
	[tilespmem:$0x10400] =	vst v63  }
0x1b6: {  	v3 =	vld [tilespmem:$0x310];
	_ =	sdelay $0x4  }
0x1b7: {  	v57 =	vshll.u32 v3, $0x2  }
0x1b8: {  	v3 =	vand.u32 $0x7, v3;
	v4 =	vand.u32 $0xFFFFFFE0, v57  }
0x1b9: {  	v3 =	vor.u32 v3, v4  }
0x1ba: {  	v4 =	vperm.xlane v3, v0;
	_ =	sdelay $0x1  }
0x1bb: {  	v4 =	vadd.s32 v1, v4;
	_ =	sdelay $0x1  }
0x1bc: {  	v3 =	vperm.xlane v3, v2;
	_ =	sdelay $0x1  }
0x1bd: {  	s9 =	simm.s32 $0x2400;
	v3 =	vadd.s32 v1, v3  }
0x1be: {  	[tilespmem:s9], [sflag:$0x1] =	stream.indirect_vreg.gather [hbm4b:s2+s3], $0x80, v4, vm0, $0xb8;
	[tilespmem:$0x10400] =	vst v63  }
0x1bf: {  	s10 =	simm.s32 $0x2C00  }
0x1c0: {  	[tilespmem:s10], [sflag:$0x1] =	stream.indirect_vreg.gather [hbm4b:s4+s3], $0x80, v4, vm0, $0xb8;
	[tilespmem:$0x10400] =	vst v63  }
0x1c1: {  	s11 =	simm.s32 $0x3400  }
0x1c2: {  	[tilespmem:s11], [sflag:$0x1] =	stream.indirect_vreg.gather [hbm4b:s2+s3], $0x80, v3, vm0, $0xb8;
	[tilespmem:$0x10400] =	vst v63  }
0x1c3: {  	s9 =	simm.s32 $0x3C00  }
0x1c4: {  	[tilespmem:s9], [sflag:$0x1] =	stream.indirect_vreg.gather [hbm4b:s4+s3], $0x80, v3, vm0, $0xb8;
	[tilespmem:$0x10400] =	vst v63  }
0x1c5: {  	v3 =	vld [tilespmem:$0x320];
	_ =	sdelay $0x4  }
0x1c6: {  	v58 =	vshll.u32 v3, $0x2  }
0x1c7: {  	v3 =	vand.u32 $0x7, v3;
	v4 =	vand.u32 $0xFFFFFFE0, v58  }
0x1c8: {  	v3 =	vor.u32 v3, v4  }
0x1c9: {  	v4 =	vperm.xlane v3, v0;
	_ =	sdelay $0x1  }
0x1ca: {  	v4 =	vadd.s32 v1, v4;
	_ =	sdelay $0x1  }
0x1cb: {  	v3 =	vperm.xlane v3, v2;
	_ =	sdelay $0x1  }
0x1cc: {  	s10 =	simm.s32 $0x4400;
	v3 =	vadd.s32 v1, v3  }
0x1cd: {  	[tilespmem:s10], [sflag:$0x1] =	stream.indirect_vreg.gather [hbm4b:s2+s3], $0x80, v4, vm0, $0xb8;
	[tilespmem:$0x10400] =	vst v63  }
0x1ce: {  	s11 =	simm.s32 $0x4C00  }
0x1cf: {  	[tilespmem:s11], [sflag:$0x1] =	stream.indirect_vreg.gather [hbm4b:s4+s3], $0x80, v4, vm0, $0xb8;
	[tilespmem:$0x10400] =	vst v63  }
0x1d0: {  	s25 =	simm.s32 $0x5400  }
0x1d1: {  	[tilespmem:s25], [sflag:$0x1] =	stream.indirect_vreg.gather [hbm4b:s2+s3], $0x80, v3, vm0, $0xb8;
	[tilespmem:$0x10400] =	vst v63  }
0x1d2: {  	s20 =	simm.s32 $0x5C00  }
0x1d3: {  	[tilespmem:s20], [sflag:$0x1] =	stream.indirect_vreg.gather [hbm4b:s4+s3], $0x80, v3, vm0, $0xb8;
	[tilespmem:$0x10400] =	vst v63  }
0x1d4: {  	v3 =	vld [tilespmem:$0x330];
	_ =	sdelay $0x4  }
0x1d5: {  	v59 =	vshll.u32 v3, $0x2  }
0x1d6: {  	v3 =	vand.u32 $0x7, v3;
	v4 =	vand.u32 $0xFFFFFFE0, v59  }
0x1d7: {  	v3 =	vor.u32 v3, v4  }
0x1d8: {  	v4 =	vperm.xlane v3, v0;
	_ =	sdelay $0x1  }
0x1d9: {  	v4 =	vadd.s32 v1, v4;
	_ =	sdelay $0x1  }
0x1da: {  	v3 =	vperm.xlane v3, v2;
	_ =	sdelay $0x1  }
0x1db: {  	s19 =	simm.s32 $0x6400;
	v3 =	vadd.s32 v1, v3  }
0x1dc: {  	[tilespmem:s19], [sflag:$0x1] =	stream.indirect_vreg.gather [hbm4b:s2+s3], $0x80, v4, vm0, $0xb8;
	[tilespmem:$0x10400] =	vst v63  }
0x1dd: {  	s12 =	simm.s32 $0x6C00  }
0x1de: {  	[tilespmem:s12], [sflag:$0x1] =	stream.indirect_vreg.gather [hbm4b:s4+s3], $0x80, v4, vm0, $0xb8;
	[tilespmem:$0x10400] =	vst v63  }
0x1df: {  	s18 =	simm.s32 $0x7400  }
0x1e0: {  	[tilespmem:s18], [sflag:$0x1] =	stream.indirect_vreg.gather [hbm4b:s2+s3], $0x80, v3, vm0, $0xb8;
	[tilespmem:$0x10400] =	vst v63  }
0x1e1: {  	s18 =	simm.s32 $0x7C00  }
0x1e2: {  	[tilespmem:s18], [sflag:$0x1] =	stream.indirect_vreg.gather [hbm4b:s4+s3], $0x80, v3, vm0, $0xb8;
	[tilespmem:$0x10400] =	vst v63  }
0x1e3: {  	s12 =	rddreg [dreg:$0x9]  }
0x1e4: {  	[hbm4b:s12+s3] =	stream.linear.scatter [tilespmem:s23], [sflag:$0x4], $0x8000, $0x38;
	[tilespmem:$0x10400] =	vst v63  }
0x1e5: {  	_ =	swait.ge [sflag:s13], $0x8000  }
0x1e6: {  	[sflag:s13] =	ssyncset.done $0x0  }
0x1e7: {  	[sflag:s13] =	ssyncadd.s32 $0xFFFF8000  }
0x1e8: {  	_ =	swait.ge [sflag:s16], $0x8000  }
0x1e9: {  	[sflag:s16] =	ssyncset.done $0x0  }
0x1ea: {  	[sflag:s16] =	ssyncadd.s32 $0xFFFF8000  }
0x1eb: {  	v3 =	vld [tilespmem:$0x380];
	_ =	sdelay $0x4  }
0x1ec: {  	v60 =	vshll.u32 v3, $0x2  }
0x1ed: {  	v3 =	vand.u32 $0x7, v3;
	v4 =	vand.u32 $0xFFFFFFE0, v60  }
0x1ee: {  	v3 =	vor.u32 v3, v4  }
0x1ef: {  	v4 =	vperm.xlane v3, v0;
	_ =	sdelay $0x1  }
0x1f0: {  	v4 =	vadd.s32 v1, v4;
	_ =	sdelay $0x1  }
0x1f1: {  	v3 =	vperm.xlane v3, v2;
	_ =	sdelay $0x1  }
0x1f2: {  	v3 =	vadd.s32 v1, v3  }
0x1f3: {  	[tilespmem:s23], [sflag:$0x2] =	stream.indirect_vreg.gather [hbm4b:s2+s3], $0x80, v4, vm0, $0xb8;
	[tilespmem:$0x10400] =	vst v63  }
0x1f4: {  	s0 =	simm.s32 $0x8C00  }
0x1f5: {  	[tilespmem:s0], [sflag:$0x2] =	stream.indirect_vreg.gather [hbm4b:s4+s3], $0x80, v4, vm0, $0xb8;
	[tilespmem:$0x10400] =	vst v63  }
0x1f6: {  	s1 =	simm.s32 $0x9400  }
0x1f7: {  	[tilespmem:s1], [sflag:$0x2] =	stream.indirect_vreg.gather [hbm4b:s2+s3], $0x80, v3, vm0, $0xb8;
	[tilespmem:$0x10400] =	vst v63  }
0x1f8: {  	s19 =	simm.s32 $0x9C00  }
0x1f9: {  	[tilespmem:s19], [sflag:$0x2] =	stream.indirect_vreg.gather [hbm4b:s4+s3], $0x80, v3, vm0, $0xb8;
	[tilespmem:$0x10400] =	vst v63  }
0x1fa: {  	v3 =	vld [tilespmem:$0x390];
	_ =	sdelay $0x4  }
0x1fb: {  	v61 =	vshll.u32 v3, $0x2  }
0x1fc: {  	v3 =	vand.u32 $0x7, v3;
	v4 =	vand.u32 $0xFFFFFFE0, v61  }
0x1fd: {  	v3 =	vor.u32 v3, v4  }
0x1fe: {  	v4 =	vperm.xlane v3, v0;
	_ =	sdelay $0x1  }
0x1ff: {  	v4 =	vadd.s32 v1, v4;
	_ =	sdelay $0x1  }
0x200: {  	v3 =	vperm.xlane v3, v2;
	_ =	sdelay $0x1  }
0x201: {  	s6 =	simm.s32 $0xA400;
	v3 =	vadd.s32 v1, v3  }
0x202: {  	[tilespmem:s6], [sflag:$0x2] =	stream.indirect_vreg.gather [hbm4b:s2+s3], $0x80, v4, vm0, $0xb8;
	[tilespmem:$0x10400] =	vst v63  }
0x203: {  	s20 =	simm.s32 $0xAC00  }
0x204: {  	[tilespmem:s20], [sflag:$0x2] =	stream.indirect_vreg.gather [hbm4b:s4+s3], $0x80, v4, vm0, $0xb8;
	[tilespmem:$0x10400] =	vst v63  }
0x205: {  	s22 =	simm.s32 $0xB400  }
0x206: {  	[tilespmem:s22], [sflag:$0x2] =	stream.indirect_vreg.gather [hbm4b:s2+s3], $0x80, v3, vm0, $0xb8;
	[tilespmem:$0x10400] =	vst v63  }
0x207: {  	s22 =	simm.s32 $0xBC00  }
0x208: {  	[tilespmem:s22], [sflag:$0x2] =	stream.indirect_vreg.gather [hbm4b:s4+s3], $0x80, v3, vm0, $0xb8;
	[tilespmem:$0x10400] =	vst v63  }
0x209: {  	v3 =	vld [tilespmem:$0x3A0];
	_ =	sdelay $0x4  }
0x20a: {  	v62 =	vshll.u32 v3, $0x2  }
0x20b: {  	v3 =	vand.u32 $0x7, v3;
	v4 =	vand.u32 $0xFFFFFFE0, v62  }
0x20c: {  	v3 =	vor.u32 v3, v4  }
0x20d: {  	v4 =	vperm.xlane v3, v0;
	_ =	sdelay $0x1  }
0x20e: {  	v4 =	vadd.s32 v1, v4;
	_ =	sdelay $0x1  }
0x20f: {  	v3 =	vperm.xlane v3, v2;
	_ =	sdelay $0x1  }
0x210: {  	s24 =	simm.s32 $0xC400;
	v3 =	vadd.s32 v1, v3  }
0x211: {  	[tilespmem:s24], [sflag:$0x2] =	stream.indirect_vreg.gather [hbm4b:s2+s3], $0x80, v4, vm0, $0xb8;
	[tilespmem:$0x10400] =	vst v63  }
0x212: {  	s30 =	simm.s32 $0xCC00  }
0x213: {  	[tilespmem:s30], [sflag:$0x2] =	stream.indirect_vreg.gather [hbm4b:s4+s3], $0x80, v4, vm0, $0xb8;
	[tilespmem:$0x10400] =	vst v63  }
0x214: {  	s28 =	simm.s32 $0xD400  }
0x215: {  	[tilespmem:s28], [sflag:$0x2] =	stream.indirect_vreg.gather [hbm4b:s2+s3], $0x80, v3, vm0, $0xb8;
	[tilespmem:$0x10400] =	vst v63  }
0x216: {  	s25 =	simm.s32 $0xDC00  }
0x217: {  	[tilespmem:s25], [sflag:$0x2] =	stream.indirect_vreg.gather [hbm4b:s4+s3], $0x80, v3, vm0, $0xb8;
	[tilespmem:$0x10400] =	vst v63  }
0x218: {  	v3 =	vld [tilespmem:$0x3B0];
	_ =	sdelay $0x4  }
0x219: {  	v63 =	vshll.u32 v3, $0x2  }
0x21a: {  	v3 =	vand.u32 $0x7, v3;
	v4 =	vand.u32 $0xFFFFFFE0, v63  }
0x21b: {  	v3 =	vor.u32 v3, v4  }
0x21c: {  	v4 =	vperm.xlane v3, v0;
	_ =	sdelay $0x1  }
0x21d: {  	v4 =	vadd.s32 v1, v4;
	_ =	sdelay $0x1  }
0x21e: {  	v3 =	vperm.xlane v3, v2;
	_ =	sdelay $0x1  }
0x21f: {  	s28 =	simm.s32 $0xE400;
	v3 =	vadd.s32 v1, v3  }
0x220: {  	[tilespmem:s28], [sflag:$0x2] =	stream.indirect_vreg.gather [hbm4b:s2+s3], $0x80, v4, vm0, $0xb8;
	[tilespmem:$0x10400] =	vst v63  }
0x221: {  	s31 =	simm.s32 $0xEC00  }
0x222: {  	[tilespmem:s31], [sflag:$0x2] =	stream.indirect_vreg.gather [hbm4b:s4+s3], $0x80, v4, vm0, $0xb8;
	[tilespmem:$0x10400] =	vst v63  }
0x223: {  	s29 =	simm.s32 $0xF400  }
0x224: {  	[tilespmem:s29], [sflag:$0x2] =	stream.indirect_vreg.gather [hbm4b:s2+s3], $0x80, v3, vm0, $0xb8;
	[tilespmem:$0x10400] =	vst v63  }
0x225: {  	s26 =	simm.s32 $0xFC00  }
0x226: {  	[tilespmem:s26], [sflag:$0x2] =	stream.indirect_vreg.gather [hbm4b:s4+s3], $0x80, v3, vm0, $0xb8;
	[tilespmem:$0x10400] =	vst v63  }
0x227: {  	s30 =	rddreg [dreg:$0xa]  }
0x228: {  	[hbm4b:s30+s3] =	stream.linear.scatter [tilespmem:s21], [sflag:$0x3], $0x8000, $0x38;
	[tilespmem:$0x10400] =	vst v63  }
0x229: {  	_ =	swait.ge [sflag:s14], $0x8000  }
0x22a: {  	[sflag:s14] =	ssyncset.done $0x0  }
0x22b: {  	[sflag:s14] =	ssyncadd.s32 $0xFFFF8000  }
0x22c: {  	_ =	swait.ge [sflag:s15], $0x8000  }
0x22d: {  	p0 =	sne.s32 s5, $0x1;
	[sflag:s15] =	ssyncset.done $0x0  }
.Ltmp0:
0x22e: {  	s31 =	rddreg [dreg:$0xb];
	[sflag:s15] =	ssyncadd.s32 $0xFFFF8000;
	(pc) =	sbr.rel @p0 .LBB2_1-.Ltmp0, $4  }
0x22f: {  	[hbm4b:s31+s3] =	stream.linear.scatter [tilespmem:s23], [sflag:$0x4], $0x8000, $0x38;
	[tilespmem:$0x10400] =	vst v63  }
0x230: {  	_ =	swait.ge [sflag:s16], $0x8000  }
0x231: {  	[sflag:s16] =	ssyncset.done $0x0  }
0x232: {  	s5 =	sadd.s32 $0xFFFFFFFF, s5;
	[sflag:s16] =	ssyncadd.s32 $0xFFFF8000  }
0x233: {  	_ =	sfence.sel $0x180000  }
0x234: {  	[bflag:$0x0] =	sbarrier.arrive $0xFFFF  }
0x235: {  	_ =	strace $0x90000047  }
0x236: {  	s0 =	stileid.u32;
	[bflag:$0x2] =	sbarrier.arrive $0xFFFF  }
0x237: {  	p0 =	sne.s32 s0, $0x0;
	s0 =	rddreg [dreg:$0x2]  }
0x238: {  	s0 =	sadd.s32 @!p0 $0x100000, s0  }
0x239: {  	[sflag:s0] =	ssyncadd.tile.s32 @!p0 $0x1;
	_ =	shalt  }
.Lfunc_end2:
_tile_overlayer_lowered:
.L_overlay_start_2:
0x23a: {  	(tag) =	ssettag $0x2  }
0x23b: {  	s0 =	rddreg [dreg:$0x0];
	s2 =	stileid.u32  }
0x23c: {  	s1 =	rddreg [dreg:$0x1];
	p0 =	sne.s32 s2, $0x0  }
0x23d: {  	s3 =	rddreg [dreg:$0x2];
	[bflag:$0x3] =	sbarrier.arrive $0xFFFF;
	s2 =	simm.s32 @!p0 $0x1C05  }
0x23e: {  	[timem:s3], [sflag:s2] =	dma.local @!p0 [hbm:s0], s1  }
0x23f: {  	s0 =	simm.s32 @!p0 $0x5  }
0x240: {  	_ =	swait.ge @!p0 [sflag:s0], s1  }
0x241: {  	s1 =	ssub.s32 @!p0 $0x0, s1;
	[sflag:s0] =	ssyncset.done @!p0 $0x0  }
0x242: {  	[sflag:s0] =	ssyncadd.s32 @!p0 s1  }
0x243: {  	[bflag:$0x3] =	sbarrier.arrive $0xFFFF  }
0x244: {  	_ =	shalt  }

</sc_bundles>
